<compile_context>
chip_gen: v7x
topology: tpu7x:2x2x1
jax: 0.10.2.dev20260603
libtpu: 0.0.44.dev20260713+nightly
codegen_flags: <defaults>
</compile_context>

<pallas_src>
import functools

import jax
import jax.numpy as jnp
from jax import lax
from jax.experimental import pallas as pl
from jax.experimental.pallas import tpu as pltpu
from jax.experimental.pallas import tpu_sc as plsc

D = 128
DE = 16
H = 64
NEG = -1e30
WORKERS = 32
LANES = 16


@functools.lru_cache(maxsize=None)
def _build(n, e):
    nblk = n // 5 if n % 5 == 0 else n // 8
    while n % nblk or nblk % 8:
        nblk //= 2
    eblk = 3200 if (e // 2) % 3200 == 0 else e // 2

    def a_body(x_ref, wi_ref, wo_ref, bi_ref, bo_ref, o_ref):
        xb = x_ref[...]
        dn = (((1,), (1,)), ((), ()))
        o_ref[0] = lax.dot_general(xb, wi_ref[...], dn,
                                   preferred_element_type=jnp.float32) \
            + bi_ref[...]
        o_ref[1] = lax.dot_general(xb, wo_ref[...], dn,
                                   preferred_element_type=jnp.float32) \
            + bo_ref[...]

    phase_a = pl.pallas_call(
        a_body,
        grid=(n // nblk,),
        in_specs=[pl.BlockSpec((nblk, D), lambda i: (i, 0)),
                  pl.BlockSpec((H, D), lambda i: (0, 0)),
                  pl.BlockSpec((H, D), lambda i: (0, 0)),
                  pl.BlockSpec((1, H), lambda i: (0, 0)),
                  pl.BlockSpec((1, H), lambda i: (0, 0))],
        out_specs=pl.BlockSpec((2, nblk, H), lambda i: (0, i, 0)),
        out_shape=jax.ShapeDtypeStruct((2, n, H), jnp.float32),
    )

    eh = e // 2
    nb = eh // eblk
    nbp = ((nb + 7) // 8) * 8

    def _bsel_half(eat, r, c):
        lt = r < c
        ltf = lt.astype(jnp.float32).reshape(1, eblk)
        gtf = (r > c).astype(jnp.float32).reshape(1, eblk)
        am = jnp.concatenate([eat * ltf, eat * gtf], axis=0)
        return am, jnp.where(r == c, 2 * n, r + lt.astype(jnp.int32) * n)

    def b_body(eatl_ref, eatr_ref, rowl_ref, coll_ref, rowr_ref, colr_ref,
               wbig_ref, bsel_ref, gidxl_ref, gidxr_ref):
        i = pl.program_id(0)
        dn = (((0,), (1,)), ((), ()))
        wb = wbig_ref[...]
        aml, gl = _bsel_half(eatl_ref[...], rowl_ref[i % 8, :],
                             coll_ref[i % 8, :])
        amr, gr = _bsel_half(eatr_ref[...], rowr_ref[i % 8, :],
                             colr_ref[i % 8, :])
        bl = lax.dot_general(aml, wb, dn, preferred_element_type=jnp.float32)
        br = lax.dot_general(amr, wb, dn, preferred_element_type=jnp.float32)
        bsel_ref[...] = jnp.concatenate([bl, br], axis=1)
        gidxl_ref[i % 8, :] = gl
        gidxr_ref[i % 8, :] = gr

    phase_b = pl.pallas_call(
        b_body,
        grid=(nb,),
        in_specs=[pl.BlockSpec((DE, eblk), lambda i: (0, i)),
                  pl.BlockSpec((DE, eblk), lambda i: (0, i + nb)),
                  pl.BlockSpec((8, eblk), lambda i: (i // 8, 0)),
                  pl.BlockSpec((8, eblk), lambda i: (i // 8, 0)),
                  pl.BlockSpec((8, eblk), lambda i: (i // 8, 0)),
                  pl.BlockSpec((8, eblk), lambda i: (i // 8, 0)),
                  pl.BlockSpec((H, 2 * DE), lambda i: (0, 0))],
        out_specs=[pl.BlockSpec((eblk, 2 * H), lambda i: (i, 0)),
                   pl.BlockSpec((8, eblk), lambda i: (i // 8, 0)),
                   pl.BlockSpec((8, eblk), lambda i: (i // 8, 0))],
        out_shape=[jax.ShapeDtypeStruct((eh, 2 * H), jnp.float32),
                   jax.ShapeDtypeStruct((nbp, eblk), jnp.int32),
                   jax.ShapeDtypeStruct((nbp, eblk), jnp.int32)],
    )

    def c_body(p1_ref, p2_ref, w1_ref, w2_ref, bn_ref, o_ref):
        fi = p1_ref[0] + p1_ref[1]
        fo = p2_ref[0] + p2_ref[1]
        dn = (((1,), (1,)), ((), ()))
        o = lax.dot_general(fi, w1_ref[...], dn,
                            preferred_element_type=jnp.float32)
        o = o + lax.dot_general(fo, w2_ref[...], dn,
                                preferred_element_type=jnp.float32)
        o_ref[...] = jnp.maximum(o + bn_ref[...], 0.0)

    nsteps = n // nblk
    phase_c = pl.pallas_call(
        c_body,
        grid=(nsteps,),
        in_specs=[pl.BlockSpec((2, nblk, H), lambda i: (0, i, 0)),
                  pl.BlockSpec((2, nblk, H), lambda i: (0, i + nsteps, 0)),
                  pl.BlockSpec((D, H), lambda i: (0, 0)),
                  pl.BlockSpec((D, H), lambda i: (0, 0)),
                  pl.BlockSpec((1, D), lambda i: (0, 0))],
        out_specs=pl.BlockSpec((nblk, D), lambda i: (i, 0)),
        out_shape=jax.ShapeDtypeStruct((n, D), jnp.float32),
    )

    return phase_a, phase_b, phase_c


@functools.lru_cache(maxsize=None)
def _build_sc(n, e):
    ew = e // WORKERS
    bk = 80
    while ew % bk:
        bk -= 8
    nbk = ew // bk
    cs = 160
    nchunk = (2 * n) // cs

    mesh = plsc.VectorSubcoreMesh(core_axis_name="c", subcore_axis_name="s",
                                  num_cores=2, num_subcores=16)

    @functools.partial(
        pl.kernel, mesh=mesh,
        compiler_params=pltpu.CompilerParams(use_tc_tiling_on_sc=False),
        out_type=jax.ShapeDtypeStruct((2, 2 * n, H), jnp.float32),
        scratch_types=[
            pltpu.VMEM((nbk, bk), jnp.int32),
            pltpu.VMEM((bk, H), jnp.float32),
            pltpu.VMEM((bk, H), jnp.float32),
            pltpu.VMEM((bk // 2, 2 * H), jnp.float32),
            pltpu.VMEM((bk // 2, 2 * H), jnp.float32),
            pltpu.VMEM((bk, H), jnp.float32),
            pltpu.VMEM((bk, H), jnp.float32),
            pltpu.VMEM((cs, H), jnp.float32),
            pltpu.VMEM_SHARED((2 * n + 8, H), jnp.float32),
            pltpu.SemaphoreType.DMA,
            pltpu.SemaphoreType.DMA,
            pltpu.SemaphoreType.DMA,
            pltpu.SemaphoreType.DMA,
            pltpu.SemaphoreType.DMA,
            pltpu.SemaphoreType.DMA,
        ],
    )
    def phase_sc(t_hbm, b_hbm, idx_hbm, z_hbm, out_hbm,
                 idx_all, g0, g1, b0, b1, r0, r1, bounce_v, acc_sh,
                 sg0, sg1, sb0, sb1, ss0, ss1):
        gath = (g0, g1)
        bsel = (b0, b1)
        res = (r0, r1)
        semg = (sg0, sg1)
        semb = (sb0, sb1)
        sems = (ss0, ss1)
        cid = lax.axis_index("c")
        sid = lax.axis_index("s")
        wid = sid * 2 + cid

        pltpu.sync_copy(idx_hbm.at[pl.ds(wid * nbk, nbk)], idx_all)

        pltpu.sync_copy(z_hbm, bounce_v)

        def zchunk(k, carry):
            @pl.when(sid == k % 16)
            def _():
                pltpu.sync_copy(bounce_v, acc_sh.at[pl.ds(k * cs, cs)])
            return carry

        lax.fori_loop(0, nchunk, zchunk, 0)
        plsc.subcore_barrier()

        def issue(s, p):
            base = (wid * ew + s * bk) // 2
            pltpu.async_copy(b_hbm.at[pl.ds(base, bk // 2)], bsel[p],
                             semb[p])
            pltpu.async_copy(t_hbm.at[idx_all.at[s]], gath[p], semg[p])

        def process(s, p):
            pltpu.make_async_copy(b_hbm.at[pl.ds(0, bk // 2)], bsel[p],
                                  semb[p]).wait()
            pltpu.make_async_copy(t_hbm.at[pl.ds(0, bk)], gath[p],
                                  semg[p]).wait()

            @pl.when(s >= 2)
            def _():
                pltpu.make_async_copy(t_hbm.at[pl.ds(0, bk)], res[p],
                                      sems[p]).wait()

            @plsc.parallel_loop(0, bk // 2, unroll=4)
            def _(ei):
                for j in range(H // LANES):
                    sl = pl.ds(j * LANES, LANES)
                    slh = pl.ds(H + j * LANES, LANES)
                    res[p][ei, sl] = jnp.maximum(
                        gath[p][ei, sl] + bsel[p][ei, sl], 0.0)
                    res[p][bk // 2 + ei, sl] = jnp.maximum(
                        gath[p][bk // 2 + ei, sl] + bsel[p][ei, slh], 0.0)
            pltpu.async_copy(res[p], acc_sh.at[idx_all.at[s]], sems[p],
                             add=True)

            @pl.when(s + 2 < nbk)
            def _():
                issue(s + 2, p)

        issue(0, 0)
        if nbk > 1:
            issue(1, 1)

        def pair(j, carry):
            for p in range(2):
                s = 2 * j + p

                @pl.when(s < nbk)
                def _():
                    process(s, p)
            return carry

        lax.fori_loop(0, (nbk + 1) // 2, pair, 0)
        pltpu.make_async_copy(t_hbm.at[pl.ds(0, bk)], res[0], sems[0]).wait()
        if nbk > 1:
            pltpu.make_async_copy(t_hbm.at[pl.ds(0, bk)], res[1],
                                  sems[1]).wait()
        plsc.subcore_barrier()

        def wchunk(k, carry):
            @pl.when(sid == k % 16)
            def _():
                pltpu.sync_copy(acc_sh.at[pl.ds(k * cs, cs)], bounce_v)
                pltpu.sync_copy(bounce_v, out_hbm.at[cid, pl.ds(k * cs, cs)])
            return carry

        lax.fori_loop(0, nchunk, wchunk, 0)

    return phase_sc, cs, bk


def kernel(x, edge_index, edge_attr, W_out, b_out, W_in, b_in, W_node,
           b_node):
    n = x.shape[0]
    e = edge_attr.shape[0]
    phase_a, phase_b, phase_c = _build(n, e)
    phase_sc, cs, bk = _build_sc(n, e)

    row = edge_index[0]
    col = edge_index[1]

    t = phase_a(x, W_in[:, :D], W_out[:, :D], b_in.reshape(1, H),
                b_out.reshape(1, H)).reshape(2 * n, H)
    t = jnp.concatenate([t, jnp.full((8, H), NEG, jnp.float32)], axis=0)
    wbig = jnp.concatenate([W_out[:, D:], W_in[:, D:]], axis=1)
    eh = e // 2
    eblk = 3200 if eh % 3200 == 0 else eh
    nb = eh // eblk
    nbp = ((nb + 7) // 8) * 8

    def chunk2(v):
        return jnp.pad(v.reshape(nb, eblk), ((0, nbp - nb), (0, 0)))

    eat = edge_attr.T
    bsel2, gl2, gr2 = phase_b(eat, eat, chunk2(row[:eh]), chunk2(col[:eh]),
                              chunk2(row[eh:]), chunk2(col[eh:]), wbig)
    hbk = bk // 2
    gidx_sc = jnp.concatenate([gl2[:nb].reshape(eh // hbk, hbk),
                               gr2[:nb].reshape(eh // hbk, hbk)], axis=1)
    zeros = jnp.zeros((cs, H), jnp.float32)
    partials = phase_sc(t, bsel2, gidx_sc, zeros)
    return phase_c(partials, partials, W_node[:, :H], W_node[:, H:],
                   b_node.reshape(1, D))

# --- scband reference (transcript-rebuilt; emitter-appended) ---
"""Pipeline reference for scband-time-aware-node-model-50440095924468 (READ-ONLY COPY).

The authoritative reference and input builder live on the scoring server;
editing this copy changes nothing except your own understanding.
"""

import jax, jax.numpy as jnp
import numpy as np

N = 10000
E = 320000
D = 128
DE = 16
H = 64


def setup_inputs(seed: int = 0) -> dict:
    key = jax.random.key(seed)
    ks = jax.random.split(key, 10)
    x = jax.random.normal(ks[0], (N, D), dtype=jnp.float32)
    edge_index = jax.random.randint(ks[1], (2, E), 0, N, dtype=jnp.int32)
    edge_attr = jax.random.normal(ks[2], (E, DE), dtype=jnp.float32)
    s1 = 1.0 / np.sqrt(D + DE)
    s2 = 1.0 / np.sqrt(2 * H)
    W_out = jax.random.normal(ks[3], (H, D + DE), dtype=jnp.float32) * s1
    b_out = jnp.zeros((H,), dtype=jnp.float32)
    W_in = jax.random.normal(ks[4], (H, D + DE), dtype=jnp.float32) * s1
    b_in = jnp.zeros((H,), dtype=jnp.float32)
    W_node = jax.random.normal(ks[5], (D, 2 * H), dtype=jnp.float32) * s2
    b_node = jnp.zeros((D,), dtype=jnp.float32)
    return {"x": x, "edge_index": edge_index, "edge_attr": edge_attr,
            "W_out": W_out, "b_out": b_out, "W_in": W_in, "b_in": b_in,
            "W_node": W_node, "b_node": b_node}


def reference(x, edge_index, edge_attr, W_out, b_out, W_in, b_in, W_node, b_node):
    # time_aware=True, use_attention=False, head_factor=1
    row = edge_index[0]
    col = edge_index[1]
    out_mask = (row < col).astype(x.dtype)[:, None]
    in_mask = (row > col).astype(x.dtype)[:, None]

    # flow_out MLP over out-edges: gather x[row], cat edge_attr, Linear+ReLU
    inp = jnp.concatenate([jnp.take(x, row, axis=0), edge_attr], axis=1)
    fo = jax.nn.relu(inp @ W_out.T + b_out) * out_mask

    fi = jax.nn.relu(inp @ W_in.T + b_in) * in_mask

    # node_agg_fn = scatter-sum into N nodes keyed by source row
    agg_out = jax.ops.segment_sum(fo, row, num_segments=N)
    agg_in = jax.ops.segment_sum(fi, row, num_segments=N)

    flow = jnp.concatenate([agg_in, agg_out], axis=1)
    return jax.nn.relu(flow @ W_node.T + b_node)

if __name__ == "__main__":
    import jax
    _d = setup_inputs()
    print(jax.jit(kernel)(*tuple(_d.values())))

</pallas_src>

<mosaic_0001>
#map = affine_map<(d0, d1) -> (0, 0)>
#map1 = affine_map<(d0, d1) -> (0, 0, 0)>
module attributes {stable_mosaic.version = 14 : i64} {
  func.func @phase_sc(%arg0: i32, %arg1: i32, %arg2: memref<20008x64xf32, #tpu.memory_space<hbm>>, %arg3: memref<160000x128xf32, #tpu.memory_space<hbm>>, %arg4: memref<4000x80xi32, #tpu.memory_space<hbm>>, %arg5: memref<160x64xf32, #tpu.memory_space<hbm>>, %arg6: memref<2x20000x64xf32, #tpu.memory_space<hbm>>, %arg7: memref<125x80xi32, #tpu.memory_space<vmem>>, %arg8: memref<80x64xf32, #tpu.memory_space<vmem>>, %arg9: memref<80x64xf32, #tpu.memory_space<vmem>>, %arg10: memref<40x128xf32, #tpu.memory_space<vmem>>, %arg11: memref<40x128xf32, #tpu.memory_space<vmem>>, %arg12: memref<80x64xf32, #tpu.memory_space<vmem>>, %arg13: memref<80x64xf32, #tpu.memory_space<vmem>>, %arg14: memref<160x64xf32, #tpu.memory_space<vmem>>, %arg15: memref<20008x64xf32, #tpu.memory_space<vmem_shared>>, %arg16: memref<!tpu.dma_semaphore, #tpu.memory_space<semaphore_mem>>, %arg17: memref<!tpu.dma_semaphore, #tpu.memory_space<semaphore_mem>>, %arg18: memref<!tpu.dma_semaphore, #tpu.memory_space<semaphore_mem>>, %arg19: memref<!tpu.dma_semaphore, #tpu.memory_space<semaphore_mem>>, %arg20: memref<!tpu.dma_semaphore, #tpu.memory_space<semaphore_mem>>, %arg21: memref<!tpu.dma_semaphore, #tpu.memory_space<semaphore_mem>>) attributes {dimension_semantics = [#tpu.dimension_semantics<core_parallel>, #tpu.dimension_semantics<subcore_parallel>], iteration_bounds = array<i64: 2, 16>, scalar_prefetch = 0 : i64, scratch_operands = 15 : i64, tpu.core_type = #tpu.core_type<sc_vector_subcore>, window_params = [{transform_indices = #map}, {transform_indices = #map}, {transform_indices = #map}, {transform_indices = #map}, {transform_indices = #map1}]} {
    %mul3A = arith.constant 2 : i32
    %mul3A_0 = arith.muli %arg1, %mul3A : i32
    %add3A = arith.addi %mul3A_0, %arg0 : i32
    %mul3A_1 = arith.constant 125 : i32
    %mul3A_2 = arith.muli %add3A, %mul3A_1 : i32
    "tpu.region"() ({
      %run_scoped3A = tpu.sem_alloc : memref<!tpu.dma_semaphore, #tpu.memory_space<semaphore_mem>>
      %dma_start3A_101 = arith.constant 0 : i32
      %dma_start3A_102 = tpu.memref_slice %arg4[%mul3A_2, %dma_start3A_101] : memref<4000x80xi32, #tpu.memory_space<hbm>> -> memref<125x80xi32, #tpu.memory_space<hbm>>
      %dma_start3A_103 = arith.constant 0 : i32
      %dma_start3A_104 = tpu.memref_slice %arg4[%mul3A_2, %dma_start3A_103] : memref<4000x80xi32, #tpu.memory_space<hbm>> -> memref<125x80xi32, #tpu.memory_space<hbm>>
      tpu.enqueue_dma source(%dma_start3A_104 : memref<125x80xi32, #tpu.memory_space<hbm>>) target(%arg7 : memref<125x80xi32, #tpu.memory_space<vmem>>) target_semaphore(%run_scoped3A : memref<!tpu.dma_semaphore, #tpu.memory_space<semaphore_mem>>)
      %dma_wait3A_105 = arith.constant 0 : i32
      %dma_wait3A_106 = tpu.memref_slice %arg4[%mul3A_2, %dma_wait3A_105] : memref<4000x80xi32, #tpu.memory_space<hbm>> -> memref<125x80xi32, #tpu.memory_space<hbm>>
      %dma_wait3A_107 = arith.constant 0 : i32
      %dma_wait3A_108 = tpu.memref_slice %arg4[%mul3A_2, %dma_wait3A_107] : memref<4000x80xi32, #tpu.memory_space<hbm>> -> memref<125x80xi32, #tpu.memory_space<hbm>>
      tpu.wait_dma2 semaphore(%run_scoped3A : memref<!tpu.dma_semaphore, #tpu.memory_space<semaphore_mem>>) src(%dma_wait3A_108 : memref<125x80xi32, #tpu.memory_space<hbm>>) dst(%arg7 : memref<125x80xi32, #tpu.memory_space<vmem>>)
      tpu.yield
    }) : () -> ()
    "tpu.region"() ({
      %run_scoped3A = tpu.sem_alloc : memref<!tpu.dma_semaphore, #tpu.memory_space<semaphore_mem>>
      tpu.enqueue_dma source(%arg5 : memref<160x64xf32, #tpu.memory_space<hbm>>) target(%arg14 : memref<160x64xf32, #tpu.memory_space<vmem>>) target_semaphore(%run_scoped3A : memref<!tpu.dma_semaphore, #tpu.memory_space<semaphore_mem>>)
      tpu.wait_dma2 semaphore(%run_scoped3A : memref<!tpu.dma_semaphore, #tpu.memory_space<semaphore_mem>>) src(%arg5 : memref<160x64xf32, #tpu.memory_space<hbm>>) dst(%arg14 : memref<160x64xf32, #tpu.memory_space<vmem>>)
      tpu.yield
    }) : () -> ()
    %scan3A = arith.constant 0 : i32
    %scan3A_3 = arith.constant 0 : i32
    %scan3A_4 = arith.constant 125 : i32
    %scan3A_5 = arith.addi %scan3A_3, %scan3A_4 : i32
    %scan3A_6 = arith.constant 1 : i32
    scf.for %scan3A_101 = %scan3A_3 to %scan3A_5 step %scan3A_6  : i32 {
      %jit3A_102 = arith.constant 16 : i32
      %eq3A = arith.constant 0 : i32
      %eq3A_103 = arith.cmpi eq, %jit3A_102, %eq3A : i32
      %jit3A_104 = arith.constant 1 : i32
      %select_n3A_105 = arith.select %eq3A_103, %jit3A_104, %jit3A_102 : i32
      %rem3A_106 = arith.remsi %scan3A_101, %select_n3A_105 : i32
      %ne3A_107 = arith.constant 0 : i32
      %ne3A_108 = arith.cmpi ne, %rem3A_106, %ne3A_107 : i32
      %lt3A = arith.constant 0 : i32
      %lt3A_109 = arith.cmpi slt, %rem3A_106, %lt3A : i32
      %lt3A_110 = arith.constant 0 : i32
      %lt3A_111 = arith.cmpi slt, %select_n3A_105, %lt3A_110 : i32
      %ne3A_112 = arith.xori %lt3A_109, %lt3A_111 : i1
      %and3A_113 = arith.andi %ne3A_112, %ne3A_108 : i1
      %add3A_114 = arith.addi %rem3A_106, %select_n3A_105 : i32
      %select_n3A_115 = arith.select %and3A_113, %add3A_114, %rem3A_106 : i32
      %eq3A_116 = arith.cmpi eq, %arg1, %select_n3A_115 : i32
      %convert_element_type3A = arith.extui %eq3A_116 : i1 to i32
      %cond3A = arith.constant 0 : i32
      %cond3A_117 = arith.cmpi ne, %convert_element_type3A, %cond3A : i32
      scf.if %cond3A_117 {
        %mul3A_118 = arith.constant 160 : i32
        %mul3A_119 = arith.muli %scan3A_101, %mul3A_118 : i32
        "tpu.region"() ({
          %run_scoped3A = tpu.sem_alloc : memref<!tpu.dma_semaphore, #tpu.memory_space<semaphore_mem>>
          %dma_start3A_120 = arith.constant 0 : i32
          %dma_start3A_121 = tpu.memref_slice %arg15[%mul3A_119, %dma_start3A_120] : memref<20008x64xf32, #tpu.memory_space<vmem_shared>> -> memref<160x64xf32, #tpu.memory_space<vmem_shared>>
          %dma_start3A_122 = arith.constant 0 : i32
          %dma_start3A_123 = tpu.memref_slice %arg15[%mul3A_119, %dma_start3A_122] : memref<20008x64xf32, #tpu.memory_space<vmem_shared>> -> memref<160x64xf32, #tpu.memory_space<vmem_shared>>
          tpu.enqueue_dma source(%arg14 : memref<160x64xf32, #tpu.memory_space<vmem>>) target(%dma_start3A_123 : memref<160x64xf32, #tpu.memory_space<vmem_shared>>) target_semaphore(%run_scoped3A : memref<!tpu.dma_semaphore, #tpu.memory_space<semaphore_mem>>)
          %dma_wait3A_124 = arith.constant 0 : i32
          %dma_wait3A_125 = tpu.memref_slice %arg15[%mul3A_119, %dma_wait3A_124] : memref<20008x64xf32, #tpu.memory_space<vmem_shared>> -> memref<160x64xf32, #tpu.memory_space<vmem_shared>>
          %dma_wait3A_126 = arith.constant 0 : i32
          %dma_wait3A_127 = tpu.memref_slice %arg15[%mul3A_119, %dma_wait3A_126] : memref<20008x64xf32, #tpu.memory_space<vmem_shared>> -> memref<160x64xf32, #tpu.memory_space<vmem_shared>>
          tpu.wait_dma2 semaphore(%run_scoped3A : memref<!tpu.dma_semaphore, #tpu.memory_space<semaphore_mem>>) src(%arg14 : memref<160x64xf32, #tpu.memory_space<vmem>>) dst(%dma_wait3A_127 : memref<160x64xf32, #tpu.memory_space<vmem_shared>>)
          tpu.yield
        }) : () -> ()
      } else {
      }
    }
    %scan3A_7 = arith.constant 125 : i32
    %barrier3A = arith.constant 0 : index
    tpu.barrier barrier_id(%barrier3A)
    %mul3A_8 = arith.constant 10000 : i32
    %mul3A_9 = arith.muli %add3A, %mul3A_8 : i32
    %add3A_10 = arith.constant 0 : i32
    %add3A_11 = arith.addi %mul3A_9, %add3A_10 : i32
    %jit3A = arith.constant 2 : i32
    %div3A = arith.divsi %add3A_11, %jit3A : i32
    %sign3A = arith.constant 0 : i32
    %sign3A_12 = arith.cmpi sgt, %add3A_11, %sign3A : i32
    %sign3A_13 = arith.extui %sign3A_12 : i1 to i32
    %sign3A_14 = arith.constant 0 : i32
    %sign3A_15 = arith.cmpi slt, %add3A_11, %sign3A_14 : i32
    %sign3A_16 = arith.extui %sign3A_15 : i1 to i32
    %sign3A_17 = arith.subi %sign3A_13, %sign3A_16 : i32
    %sign3A_18 = arith.constant 0 : i32
    %sign3A_19 = arith.cmpi sgt, %jit3A, %sign3A_18 : i32
    %sign3A_20 = arith.extui %sign3A_19 : i1 to i32
    %sign3A_21 = arith.constant 0 : i32
    %sign3A_22 = arith.cmpi slt, %jit3A, %sign3A_21 : i32
    %sign3A_23 = arith.extui %sign3A_22 : i1 to i32
    %sign3A_24 = arith.subi %sign3A_20, %sign3A_23 : i32
    %ne3A = arith.cmpi ne, %sign3A_17, %sign3A_24 : i32
    %rem3A = arith.remsi %add3A_11, %jit3A : i32
    %ne3A_25 = arith.constant 0 : i32
    %ne3A_26 = arith.cmpi ne, %rem3A, %ne3A_25 : i32
    %and3A = arith.andi %ne3A, %ne3A_26 : i1
    %sub3A = arith.constant 1 : i32
    %sub3A_27 = arith.subi %div3A, %sub3A : i32
    %select_n3A = arith.select %and3A, %sub3A_27, %div3A : i32
    %dma_start3A = arith.constant 0 : i32
    %dma_start3A_28 = tpu.memref_slice %arg3[%select_n3A, %dma_start3A] : memref<160000x128xf32, #tpu.memory_space<hbm>> -> memref<40x128xf32, #tpu.memory_space<hbm>>
    %dma_start3A_29 = arith.constant 0 : i32
    %dma_start3A_30 = tpu.memref_slice %arg3[%select_n3A, %dma_start3A_29] : memref<160000x128xf32, #tpu.memory_space<hbm>> -> memref<40x128xf32, #tpu.memory_space<hbm>>
    tpu.enqueue_dma source(%dma_start3A_30 : memref<40x128xf32, #tpu.memory_space<hbm>>) target(%arg10 : memref<40x128xf32, #tpu.memory_space<vmem>>) target_semaphore(%arg18 : memref<!tpu.dma_semaphore, #tpu.memory_space<semaphore_mem>>)
    %dma_start3A_31 = arith.constant 0 : i32
    %dma_start3A_32 = arith.constant 0 : i32
    %dma_start3A_33 = tpu.memref_slice %arg7[%dma_start3A_31, %dma_start3A_32] : memref<125x80xi32, #tpu.memory_space<vmem>> -> memref<1x80xi32, #tpu.memory_space<vmem>>
    %dma_start3A_34 = tpu.memref_squeeze %dma_start3A_33 : memref<1x80xi32, #tpu.memory_space<vmem>> -> memref<80xi32, #tpu.memory_space<vmem>>
    %dma_start3A_35 = arith.constant 0 : i32
    %dma_start3A_36 = arith.constant 0 : i32
    %dma_start3A_37 = tpu.memref_slice %arg2[%dma_start3A_35, %dma_start3A_36] : memref<20008x64xf32, #tpu.memory_space<hbm>> -> memref<20008x64xf32, #tpu.memory_space<hbm>>
    tpu.enqueue_indirect_dma source(%dma_start3A_37 : memref<20008x64xf32, #tpu.memory_space<hbm>>) target(%arg8 : memref<80x64xf32, #tpu.memory_space<vmem>>) offsets(%dma_start3A_34 : memref<80xi32, #tpu.memory_space<vmem>>) semaphore(%arg16 : memref<!tpu.dma_semaphore, #tpu.memory_space<semaphore_mem>>)
    %mul3A_38 = arith.constant 10000 : i32
    %mul3A_39 = arith.muli %add3A, %mul3A_38 : i32
    %add3A_40 = arith.constant 80 : i32
    %add3A_41 = arith.addi %mul3A_39, %add3A_40 : i32
    %jit3A_42 = arith.constant 2 : i32
    %div3A_43 = arith.divsi %add3A_41, %jit3A_42 : i32
    %sign3A_44 = arith.constant 0 : i32
    %sign3A_45 = arith.cmpi sgt, %add3A_41, %sign3A_44 : i32
    %sign3A_46 = arith.extui %sign3A_45 : i1 to i32
    %sign3A_47 = arith.constant 0 : i32
    %sign3A_48 = arith.cmpi slt, %add3A_41, %sign3A_47 : i32
    %sign3A_49 = arith.extui %sign3A_48 : i1 to i32
    %sign3A_50 = arith.subi %sign3A_46, %sign3A_49 : i32
    %sign3A_51 = arith.constant 0 : i32
    %sign3A_52 = arith.cmpi sgt, %jit3A_42, %sign3A_51 : i32
    %sign3A_53 = arith.extui %sign3A_52 : i1 to i32
    %sign3A_54 = arith.constant 0 : i32
    %sign3A_55 = arith.cmpi slt, %jit3A_42, %sign3A_54 : i32
    %sign3A_56 = arith.extui %sign3A_55 : i1 to i32
    %sign3A_57 = arith.subi %sign3A_53, %sign3A_56 : i32
    %ne3A_58 = arith.cmpi ne, %sign3A_50, %sign3A_57 : i32
    %rem3A_59 = arith.remsi %add3A_41, %jit3A_42 : i32
    %ne3A_60 = arith.constant 0 : i32
    %ne3A_61 = arith.cmpi ne, %rem3A_59, %ne3A_60 : i32
    %and3A_62 = arith.andi %ne3A_58, %ne3A_61 : i1
    %sub3A_63 = arith.constant 1 : i32
    %sub3A_64 = arith.subi %div3A_43, %sub3A_63 : i32
    %select_n3A_65 = arith.select %and3A_62, %sub3A_64, %div3A_43 : i32
    %dma_start3A_66 = arith.constant 0 : i32
    %dma_start3A_67 = tpu.memref_slice %arg3[%select_n3A_65, %dma_start3A_66] : memref<160000x128xf32, #tpu.memory_space<hbm>> -> memref<40x128xf32, #tpu.memory_space<hbm>>
    %dma_start3A_68 = arith.constant 0 : i32
    %dma_start3A_69 = tpu.memref_slice %arg3[%select_n3A_65, %dma_start3A_68] : memref<160000x128xf32, #tpu.memory_space<hbm>> -> memref<40x128xf32, #tpu.memory_space<hbm>>
    tpu.enqueue_dma source(%dma_start3A_69 : memref<40x128xf32, #tpu.memory_space<hbm>>) target(%arg11 : memref<40x128xf32, #tpu.memory_space<vmem>>) target_semaphore(%arg19 : memref<!tpu.dma_semaphore, #tpu.memory_space<semaphore_mem>>)
    %dma_start3A_70 = arith.constant 1 : i32
    %dma_start3A_71 = arith.constant 0 : i32
    %dma_start3A_72 = tpu.memref_slice %arg7[%dma_start3A_70, %dma_start3A_71] : memref<125x80xi32, #tpu.memory_space<vmem>> -> memref<1x80xi32, #tpu.memory_space<vmem>>
    %dma_start3A_73 = tpu.memref_squeeze %dma_start3A_72 : memref<1x80xi32, #tpu.memory_space<vmem>> -> memref<80xi32, #tpu.memory_space<vmem>>
    %dma_start3A_74 = arith.constant 0 : i32
    %dma_start3A_75 = arith.constant 0 : i32
    %dma_start3A_76 = tpu.memref_slice %arg2[%dma_start3A_74, %dma_start3A_75] : memref<20008x64xf32, #tpu.memory_space<hbm>> -> memref<20008x64xf32, #tpu.memory_space<hbm>>
    tpu.enqueue_indirect_dma source(%dma_start3A_76 : memref<20008x64xf32, #tpu.memory_space<hbm>>) target(%arg9 : memref<80x64xf32, #tpu.memory_space<vmem>>) offsets(%dma_start3A_73 : memref<80xi32, #tpu.memory_space<vmem>>) semaphore(%arg17 : memref<!tpu.dma_semaphore, #tpu.memory_space<semaphore_mem>>)
    %scan3A_77 = arith.constant 0 : i32
    %scan3A_78 = arith.constant 0 : i32
    %scan3A_79 = arith.constant 63 : i32
    %scan3A_80 = arith.addi %scan3A_78, %scan3A_79 : i32
    %scan3A_81 = arith.constant 1 : i32
    scf.for %scan3A_101 = %scan3A_78 to %scan3A_80 step %scan3A_81  : i32 {
      %mul3A_102 = arith.constant 2 : i32
      %mul3A_103 = arith.muli %mul3A_102, %scan3A_101 : i32
      %add3A_104 = arith.constant 0 : i32
      %add3A_105 = arith.addi %mul3A_103, %add3A_104 : i32
      %lt3A = arith.constant 125 : i32
      %lt3A_106 = arith.cmpi slt, %add3A_105, %lt3A : i32
      %convert_element_type3A = arith.extui %lt3A_106 : i1 to i32
      %cond3A = arith.constant 0 : i32
      %cond3A_107 = arith.cmpi ne, %convert_element_type3A, %cond3A : i32
      scf.if %cond3A_107 {
        %dma_wait3A_117 = arith.constant 0 : i32
        %dma_wait3A_118 = arith.constant 0 : i32
        %dma_wait3A_119 = tpu.memref_slice %arg3[%dma_wait3A_117, %dma_wait3A_118] : memref<160000x128xf32, #tpu.memory_space<hbm>> -> memref<40x128xf32, #tpu.memory_space<hbm>>
        %dma_wait3A_120 = arith.constant 0 : i32
        %dma_wait3A_121 = arith.constant 0 : i32
        %dma_wait3A_122 = tpu.memref_slice %arg3[%dma_wait3A_120, %dma_wait3A_121] : memref<160000x128xf32, #tpu.memory_space<hbm>> -> memref<40x128xf32, #tpu.memory_space<hbm>>
        tpu.wait_dma2 semaphore(%arg18 : memref<!tpu.dma_semaphore, #tpu.memory_space<semaphore_mem>>) src(%dma_wait3A_122 : memref<40x128xf32, #tpu.memory_space<hbm>>) dst(%arg10 : memref<40x128xf32, #tpu.memory_space<vmem>>)
        %dma_wait3A_123 = arith.constant 0 : i32
        %dma_wait3A_124 = arith.constant 0 : i32
        %dma_wait3A_125 = tpu.memref_slice %arg2[%dma_wait3A_123, %dma_wait3A_124] : memref<20008x64xf32, #tpu.memory_space<hbm>> -> memref<80x64xf32, #tpu.memory_space<hbm>>
        %dma_wait3A_126 = arith.constant 0 : i32
        %dma_wait3A_127 = arith.constant 0 : i32
        %dma_wait3A_128 = tpu.memref_slice %arg2[%dma_wait3A_126, %dma_wait3A_127] : memref<20008x64xf32, #tpu.memory_space<hbm>> -> memref<80x64xf32, #tpu.memory_space<hbm>>
        tpu.wait_dma2 semaphore(%arg16 : memref<!tpu.dma_semaphore, #tpu.memory_space<semaphore_mem>>) src(%dma_wait3A_128 : memref<80x64xf32, #tpu.memory_space<hbm>>) dst(%arg8 : memref<80x64xf32, #tpu.memory_space<vmem>>)
        %ge3A = arith.constant 2 : i32
        %ge3A_129 = arith.cmpi sge, %add3A_105, %ge3A : i32
        %convert_element_type3A_130 = arith.extui %ge3A_129 : i1 to i32
        %cond3A_131 = arith.constant 0 : i32
        %cond3A_132 = arith.cmpi ne, %convert_element_type3A_130, %cond3A_131 : i32
        scf.if %cond3A_132 {
          %dma_wait3A_148 = arith.constant 0 : i32
          %dma_wait3A_149 = arith.constant 0 : i32
          %dma_wait3A_150 = tpu.memref_slice %arg2[%dma_wait3A_148, %dma_wait3A_149] : memref<20008x64xf32, #tpu.memory_space<hbm>> -> memref<80x64xf32, #tpu.memory_space<hbm>>
          %dma_wait3A_151 = arith.constant 0 : i32
          %dma_wait3A_152 = arith.constant 0 : i32
          %dma_wait3A_153 = tpu.memref_slice %arg2[%dma_wait3A_151, %dma_wait3A_152] : memref<20008x64xf32, #tpu.memory_space<hbm>> -> memref<80x64xf32, #tpu.memory_space<hbm>>
          tpu.wait_dma2 semaphore(%arg20 : memref<!tpu.dma_semaphore, #tpu.memory_space<semaphore_mem>>) src(%dma_wait3A_153 : memref<80x64xf32, #tpu.memory_space<hbm>>) dst(%arg12 : memref<80x64xf32, #tpu.memory_space<vmem>>)
        } else {
        }
        %parallel_loop3A = arith.constant 0 : i32
        %parallel_loop3A_133 = arith.constant 40 : i32
        %parallel_loop3A_134 = arith.constant 1 : i32
        scf.for %parallel_loop3A_148 = %parallel_loop3A to %parallel_loop3A_133 step %parallel_loop3A_134  : i32 {
          %parallel_loop3A_149 = arith.index_cast %parallel_loop3A_148 : i32 to index
          %parallel_loop3A_150 = arith.constant 0 : index
          %parallel_loop3A_151 = tpu.vector_load %arg8[%parallel_loop3A_149, %parallel_loop3A_150] {strides = array<i32>} : memref<80x64xf32, #tpu.memory_space<vmem>>, vector<1x16xf32>,
          %parallel_loop3A_152 = vector.shape_cast %parallel_loop3A_151 : vector<1x16xf32> to vector<16xf32>
          %parallel_loop3A_153 = arith.index_cast %parallel_loop3A_148 : i32 to index
          %parallel_loop3A_154 = arith.constant 0 : index
          %parallel_loop3A_155 = tpu.vector_load %arg10[%parallel_loop3A_153, %parallel_loop3A_154] {strides = array<i32>} : memref<40x128xf32, #tpu.memory_space<vmem>>, vector<1x16xf32>,
          %parallel_loop3A_156 = vector.shape_cast %parallel_loop3A_155 : vector<1x16xf32> to vector<16xf32>
          %parallel_loop3A_157 = arith.addf %parallel_loop3A_152, %parallel_loop3A_156 : vector<16xf32>
          %parallel_loop3A_158 = arith.constant 0.000000e+00 : f32
          %parallel_loop3A_159 = vector.broadcast %parallel_loop3A_158 : f32 to vector<16xf32>
          %parallel_loop3A_160 = arith.maximumf %parallel_loop3A_157, %parallel_loop3A_159 : vector<16xf32>
          %parallel_loop3A_161 = arith.index_cast %parallel_loop3A_148 : i32 to index
          %parallel_loop3A_162 = arith.constant 0 : index
          %parallel_loop3A_163 = tpu.vector_load %arg12[%parallel_loop3A_161, %parallel_loop3A_162] {strides = array<i32>} : memref<80x64xf32, #tpu.memory_space<vmem>>, vector<1x16xf32>,
          %parallel_loop3A_164 = vector.shape_cast %parallel_loop3A_163 : vector<1x16xf32> to vector<16xf32>
          %parallel_loop3A_165 = vector.shape_cast %parallel_loop3A_160 : vector<16xf32> to vector<1x16xf32>
          tpu.vector_store %arg12[%parallel_loop3A_161, %parallel_loop3A_162], %parallel_loop3A_165 {strides = array<i32>} : memref<80x64xf32, #tpu.memory_space<vmem>>, vector<1x16xf32>,
          %parallel_loop3A_166 = arith.constant 40 : i32
          %parallel_loop3A_167 = arith.addi %parallel_loop3A_166, %parallel_loop3A_148 : i32
          %parallel_loop3A_168 = arith.index_cast %parallel_loop3A_167 : i32 to index
          %parallel_loop3A_169 = arith.constant 0 : index
          %parallel_loop3A_170 = tpu.vector_load %arg8[%parallel_loop3A_168, %parallel_loop3A_169] {strides = array<i32>} : memref<80x64xf32, #tpu.memory_space<vmem>>, vector<1x16xf32>,
          %parallel_loop3A_171 = vector.shape_cast %parallel_loop3A_170 : vector<1x16xf32> to vector<16xf32>
          %parallel_loop3A_172 = arith.index_cast %parallel_loop3A_148 : i32 to index
          %parallel_loop3A_173 = arith.constant 64 : index
          %parallel_loop3A_174 = tpu.vector_load %arg10[%parallel_loop3A_172, %parallel_loop3A_173] {strides = array<i32>} : memref<40x128xf32, #tpu.memory_space<vmem>>, vector<1x16xf32>,
          %parallel_loop3A_175 = vector.shape_cast %parallel_loop3A_174 : vector<1x16xf32> to vector<16xf32>
          %parallel_loop3A_176 = arith.addf %parallel_loop3A_171, %parallel_loop3A_175 : vector<16xf32>
          %parallel_loop3A_177 = arith.constant 0.000000e+00 : f32
          %parallel_loop3A_178 = vector.broadcast %parallel_loop3A_177 : f32 to vector<16xf32>
          %parallel_loop3A_179 = arith.maximumf %parallel_loop3A_176, %parallel_loop3A_178 : vector<16xf32>
          %parallel_loop3A_180 = arith.constant 40 : i32
          %parallel_loop3A_181 = arith.addi %parallel_loop3A_180, %parallel_loop3A_148 : i32
          %parallel_loop3A_182 = arith.index_cast %parallel_loop3A_181 : i32 to index
          %parallel_loop3A_183 = arith.constant 0 : index
          %parallel_loop3A_184 = tpu.vector_load %arg12[%parallel_loop3A_182, %parallel_loop3A_183] {strides = array<i32>} : memref<80x64xf32, #tpu.memory_space<vmem>>, vector<1x16xf32>,
          %parallel_loop3A_185 = vector.shape_cast %parallel_loop3A_184 : vector<1x16xf32> to vector<16xf32>
          %parallel_loop3A_186 = vector.shape_cast %parallel_loop3A_179 : vector<16xf32> to vector<1x16xf32>
          tpu.vector_store %arg12[%parallel_loop3A_182, %parallel_loop3A_183], %parallel_loop3A_186 {strides = array<i32>} : memref<80x64xf32, #tpu.memory_space<vmem>>, vector<1x16xf32>,
          %parallel_loop3A_187 = arith.index_cast %parallel_loop3A_148 : i32 to index
          %parallel_loop3A_188 = arith.constant 16 : index
          %parallel_loop3A_189 = tpu.vector_load %arg8[%parallel_loop3A_187, %parallel_loop3A_188] {strides = array<i32>} : memref<80x64xf32, #tpu.memory_space<vmem>>, vector<1x16xf32>,
          %parallel_loop3A_190 = vector.shape_cast %parallel_loop3A_189 : vector<1x16xf32> to vector<16xf32>
          %parallel_loop3A_191 = arith.index_cast %parallel_loop3A_148 : i32 to index
          %parallel_loop3A_192 = arith.constant 16 : index
          %parallel_loop3A_193 = tpu.vector_load %arg10[%parallel_loop3A_191, %parallel_loop3A_192] {strides = array<i32>} : memref<40x128xf32, #tpu.memory_space<vmem>>, vector<1x16xf32>,
          %parallel_loop3A_194 = vector.shape_cast %parallel_loop3A_193 : vector<1x16xf32> to vector<16xf32>
          %parallel_loop3A_195 = arith.addf %parallel_loop3A_190, %parallel_loop3A_194 : vector<16xf32>
          %parallel_loop3A_196 = arith.constant 0.000000e+00 : f32
          %parallel_loop3A_197 = vector.broadcast %parallel_loop3A_196 : f32 to vector<16xf32>
          %parallel_loop3A_198 = arith.maximumf %parallel_loop3A_195, %parallel_loop3A_197 : vector<16xf32>
          %parallel_loop3A_199 = arith.index_cast %parallel_loop3A_148 : i32 to index
          %parallel_loop3A_200 = arith.constant 16 : index
          %parallel_loop3A_201 = tpu.vector_load %arg12[%parallel_loop3A_199, %parallel_loop3A_200] {strides = array<i32>} : memref<80x64xf32, #tpu.memory_space<vmem>>, vector<1x16xf32>,
          %parallel_loop3A_202 = vector.shape_cast %parallel_loop3A_201 : vector<1x16xf32> to vector<16xf32>
          %parallel_loop3A_203 = vector.shape_cast %parallel_loop3A_198 : vector<16xf32> to vector<1x16xf32>
          tpu.vector_store %arg12[%parallel_loop3A_199, %parallel_loop3A_200], %parallel_loop3A_203 {strides = array<i32>} : memref<80x64xf32, #tpu.memory_space<vmem>>, vector<1x16xf32>,
          %parallel_loop3A_204 = arith.constant 40 : i32
          %parallel_loop3A_205 = arith.addi %parallel_loop3A_204, %parallel_loop3A_148 : i32
          %parallel_loop3A_206 = arith.index_cast %parallel_loop3A_205 : i32 to index
          %parallel_loop3A_207 = arith.constant 16 : index
          %parallel_loop3A_208 = tpu.vector_load %arg8[%parallel_loop3A_206, %parallel_loop3A_207] {strides = array<i32>} : memref<80x64xf32, #tpu.memory_space<vmem>>, vector<1x16xf32>,
          %parallel_loop3A_209 = vector.shape_cast %parallel_loop3A_208 : vector<1x16xf32> to vector<16xf32>
          %parallel_loop3A_210 = arith.index_cast %parallel_loop3A_148 : i32 to index
          %parallel_loop3A_211 = arith.constant 80 : index
          %parallel_loop3A_212 = tpu.vector_load %arg10[%parallel_loop3A_210, %parallel_loop3A_211] {strides = array<i32>} : memref<40x128xf32, #tpu.memory_space<vmem>>, vector<1x16xf32>,
          %parallel_loop3A_213 = vector.shape_cast %parallel_loop3A_212 : vector<1x16xf32> to vector<16xf32>
          %parallel_loop3A_214 = arith.addf %parallel_loop3A_209, %parallel_loop3A_213 : vector<16xf32>
          %parallel_loop3A_215 = arith.constant 0.000000e+00 : f32
          %parallel_loop3A_216 = vector.broadcast %parallel_loop3A_215 : f32 to vector<16xf32>
          %parallel_loop3A_217 = arith.maximumf %parallel_loop3A_214, %parallel_loop3A_216 : vector<16xf32>
          %parallel_loop3A_218 = arith.constant 40 : i32
          %parallel_loop3A_219 = arith.addi %parallel_loop3A_218, %parallel_loop3A_148 : i32
          %parallel_loop3A_220 = arith.index_cast %parallel_loop3A_219 : i32 to index
          %parallel_loop3A_221 = arith.constant 16 : index
          %parallel_loop3A_222 = tpu.vector_load %arg12[%parallel_loop3A_220, %parallel_loop3A_221] {strides = array<i32>} : memref<80x64xf32, #tpu.memory_space<vmem>>, vector<1x16xf32>,
          %parallel_loop3A_223 = vector.shape_cast %parallel_loop3A_222 : vector<1x16xf32> to vector<16xf32>
          %parallel_loop3A_224 = vector.shape_cast %parallel_loop3A_217 : vector<16xf32> to vector<1x16xf32>
          tpu.vector_store %arg12[%parallel_loop3A_220, %parallel_loop3A_221], %parallel_loop3A_224 {strides = array<i32>} : memref<80x64xf32, #tpu.memory_space<vmem>>, vector<1x16xf32>,
          %parallel_loop3A_225 = arith.index_cast %parallel_loop3A_148 : i32 to index
          %parallel_loop3A_226 = arith.constant 32 : index
          %parallel_loop3A_227 = tpu.vector_load %arg8[%parallel_loop3A_225, %parallel_loop3A_226] {strides = array<i32>} : memref<80x64xf32, #tpu.memory_space<vmem>>, vector<1x16xf32>,
          %parallel_loop3A_228 = vector.shape_cast %parallel_loop3A_227 : vector<1x16xf32> to vector<16xf32>
          %parallel_loop3A_229 = arith.index_cast %parallel_loop3A_148 : i32 to index
          %parallel_loop3A_230 = arith.constant 32 : index
          %parallel_loop3A_231 = tpu.vector_load %arg10[%parallel_loop3A_229, %parallel_loop3A_230] {strides = array<i32>} : memref<40x128xf32, #tpu.memory_space<vmem>>, vector<1x16xf32>,
          %parallel_loop3A_232 = vector.shape_cast %parallel_loop3A_231 : vector<1x16xf32> to vector<16xf32>
          %parallel_loop3A_233 = arith.addf %parallel_loop3A_228, %parallel_loop3A_232 : vector<16xf32>
          %parallel_loop3A_234 = arith.constant 0.000000e+00 : f32
          %parallel_loop3A_235 = vector.broadcast %parallel_loop3A_234 : f32 to vector<16xf32>
          %parallel_loop3A_236 = arith.maximumf %parallel_loop3A_233, %parallel_loop3A_235 : vector<16xf32>
          %parallel_loop3A_237 = arith.index_cast %parallel_loop3A_148 : i32 to index
          %parallel_loop3A_238 = arith.constant 32 : index
          %parallel_loop3A_239 = tpu.vector_load %arg12[%parallel_loop3A_237, %parallel_loop3A_238] {strides = array<i32>} : memref<80x64xf32, #tpu.memory_space<vmem>>, vector<1x16xf32>,
          %parallel_loop3A_240 = vector.shape_cast %parallel_loop3A_239 : vector<1x16xf32> to vector<16xf32>
          %parallel_loop3A_241 = vector.shape_cast %parallel_loop3A_236 : vector<16xf32> to vector<1x16xf32>
          tpu.vector_store %arg12[%parallel_loop3A_237, %parallel_loop3A_238], %parallel_loop3A_241 {strides = array<i32>} : memref<80x64xf32, #tpu.memory_space<vmem>>, vector<1x16xf32>,
          %parallel_loop3A_242 = arith.constant 40 : i32
          %parallel_loop3A_243 = arith.addi %parallel_loop3A_242, %parallel_loop3A_148 : i32
          %parallel_loop3A_244 = arith.index_cast %parallel_loop3A_243 : i32 to index
          %parallel_loop3A_245 = arith.constant 32 : index
          %parallel_loop3A_246 = tpu.vector_load %arg8[%parallel_loop3A_244, %parallel_loop3A_245] {strides = array<i32>} : memref<80x64xf32, #tpu.memory_space<vmem>>, vector<1x16xf32>,
          %parallel_loop3A_247 = vector.shape_cast %parallel_loop3A_246 : vector<1x16xf32> to vector<16xf32>
          %parallel_loop3A_248 = arith.index_cast %parallel_loop3A_148 : i32 to index
          %parallel_loop3A_249 = arith.constant 96 : index
          %parallel_loop3A_250 = tpu.vector_load %arg10[%parallel_loop3A_248, %parallel_loop3A_249] {strides = array<i32>} : memref<40x128xf32, #tpu.memory_space<vmem>>, vector<1x16xf32>,
          %parallel_loop3A_251 = vector.shape_cast %parallel_loop3A_250 : vector<1x16xf32> to vector<16xf32>
          %parallel_loop3A_252 = arith.addf %parallel_loop3A_247, %parallel_loop3A_251 : vector<16xf32>
          %parallel_loop3A_253 = arith.constant 0.000000e+00 : f32
          %parallel_loop3A_254 = vector.broadcast %parallel_loop3A_253 : f32 to vector<16xf32>
          %parallel_loop3A_255 = arith.maximumf %parallel_loop3A_252, %parallel_loop3A_254 : vector<16xf32>
          %parallel_loop3A_256 = arith.constant 40 : i32
          %parallel_loop3A_257 = arith.addi %parallel_loop3A_256, %parallel_loop3A_148 : i32
          %parallel_loop3A_258 = arith.index_cast %parallel_loop3A_257 : i32 to index
          %parallel_loop3A_259 = arith.constant 32 : index
          %parallel_loop3A_260 = tpu.vector_load %arg12[%parallel_loop3A_258, %parallel_loop3A_259] {strides = array<i32>} : memref<80x64xf32, #tpu.memory_space<vmem>>, vector<1x16xf32>,
          %parallel_loop3A_261 = vector.shape_cast %parallel_loop3A_260 : vector<1x16xf32> to vector<16xf32>
          %parallel_loop3A_262 = vector.shape_cast %parallel_loop3A_255 : vector<16xf32> to vector<1x16xf32>
          tpu.vector_store %arg12[%parallel_loop3A_258, %parallel_loop3A_259], %parallel_loop3A_262 {strides = array<i32>} : memref<80x64xf32, #tpu.memory_space<vmem>>, vector<1x16xf32>,
          %parallel_loop3A_263 = arith.index_cast %parallel_loop3A_148 : i32 to index
          %parallel_loop3A_264 = arith.constant 48 : index
          %parallel_loop3A_265 = tpu.vector_load %arg8[%parallel_loop3A_263, %parallel_loop3A_264] {strides = array<i32>} : memref<80x64xf32, #tpu.memory_space<vmem>>, vector<1x16xf32>,
          %parallel_loop3A_266 = vector.shape_cast %parallel_loop3A_265 : vector<1x16xf32> to vector<16xf32>
          %parallel_loop3A_267 = arith.index_cast %parallel_loop3A_148 : i32 to index
          %parallel_loop3A_268 = arith.constant 48 : index
          %parallel_loop3A_269 = tpu.vector_load %arg10[%parallel_loop3A_267, %parallel_loop3A_268] {strides = array<i32>} : memref<40x128xf32, #tpu.memory_space<vmem>>, vector<1x16xf32>,
          %parallel_loop3A_270 = vector.shape_cast %parallel_loop3A_269 : vector<1x16xf32> to vector<16xf32>
          %parallel_loop3A_271 = arith.addf %parallel_loop3A_266, %parallel_loop3A_270 : vector<16xf32>
          %parallel_loop3A_272 = arith.constant 0.000000e+00 : f32
          %parallel_loop3A_273 = vector.broadcast %parallel_loop3A_272 : f32 to vector<16xf32>
          %parallel_loop3A_274 = arith.maximumf %parallel_loop3A_271, %parallel_loop3A_273 : vector<16xf32>
          %parallel_loop3A_275 = arith.index_cast %parallel_loop3A_148 : i32 to index
          %parallel_loop3A_276 = arith.constant 48 : index
          %parallel_loop3A_277 = tpu.vector_load %arg12[%parallel_loop3A_275, %parallel_loop3A_276] {strides = array<i32>} : memref<80x64xf32, #tpu.memory_space<vmem>>, vector<1x16xf32>,
          %parallel_loop3A_278 = vector.shape_cast %parallel_loop3A_277 : vector<1x16xf32> to vector<16xf32>
          %parallel_loop3A_279 = vector.shape_cast %parallel_loop3A_274 : vector<16xf32> to vector<1x16xf32>
          tpu.vector_store %arg12[%parallel_loop3A_275, %parallel_loop3A_276], %parallel_loop3A_279 {strides = array<i32>} : memref<80x64xf32, #tpu.memory_space<vmem>>, vector<1x16xf32>,
          %parallel_loop3A_280 = arith.constant 40 : i32
          %parallel_loop3A_281 = arith.addi %parallel_loop3A_280, %parallel_loop3A_148 : i32
          %parallel_loop3A_282 = arith.index_cast %parallel_loop3A_281 : i32 to index
          %parallel_loop3A_283 = arith.constant 48 : index
          %parallel_loop3A_284 = tpu.vector_load %arg8[%parallel_loop3A_282, %parallel_loop3A_283] {strides = array<i32>} : memref<80x64xf32, #tpu.memory_space<vmem>>, vector<1x16xf32>,
          %parallel_loop3A_285 = vector.shape_cast %parallel_loop3A_284 : vector<1x16xf32> to vector<16xf32>
          %parallel_loop3A_286 = arith.index_cast %parallel_loop3A_148 : i32 to index
          %parallel_loop3A_287 = arith.constant 112 : index
          %parallel_loop3A_288 = tpu.vector_load %arg10[%parallel_loop3A_286, %parallel_loop3A_287] {strides = array<i32>} : memref<40x128xf32, #tpu.memory_space<vmem>>, vector<1x16xf32>,
          %parallel_loop3A_289 = vector.shape_cast %parallel_loop3A_288 : vector<1x16xf32> to vector<16xf32>
          %parallel_loop3A_290 = arith.addf %parallel_loop3A_285, %parallel_loop3A_289 : vector<16xf32>
          %parallel_loop3A_291 = arith.constant 0.000000e+00 : f32
          %parallel_loop3A_292 = vector.broadcast %parallel_loop3A_291 : f32 to vector<16xf32>
          %parallel_loop3A_293 = arith.maximumf %parallel_loop3A_290, %parallel_loop3A_292 : vector<16xf32>
          %parallel_loop3A_294 = arith.constant 40 : i32
          %parallel_loop3A_295 = arith.addi %parallel_loop3A_294, %parallel_loop3A_148 : i32
          %parallel_loop3A_296 = arith.index_cast %parallel_loop3A_295 : i32 to index
          %parallel_loop3A_297 = arith.constant 48 : index
          %parallel_loop3A_298 = tpu.vector_load %arg12[%parallel_loop3A_296, %parallel_loop3A_297] {strides = array<i32>} : memref<80x64xf32, #tpu.memory_space<vmem>>, vector<1x16xf32>,
          %parallel_loop3A_299 = vector.shape_cast %parallel_loop3A_298 : vector<1x16xf32> to vector<16xf32>
          %parallel_loop3A_300 = vector.shape_cast %parallel_loop3A_293 : vector<16xf32> to vector<1x16xf32>
          tpu.vector_store %arg12[%parallel_loop3A_296, %parallel_loop3A_297], %parallel_loop3A_300 {strides = array<i32>} : memref<80x64xf32, #tpu.memory_space<vmem>>, vector<1x16xf32>,
        } {sc.loop_unroll_factor = 4 : i64, sc.parallel_access}
        %dma_start3A_135 = arith.constant 0 : i32
        %dma_start3A_136 = tpu.memref_slice %arg7[%add3A_105, %dma_start3A_135] : memref<125x80xi32, #tpu.memory_space<vmem>> -> memref<1x80xi32, #tpu.memory_space<vmem>>
        %dma_start3A_137 = tpu.memref_squeeze %dma_start3A_136 : memref<1x80xi32, #tpu.memory_space<vmem>> -> memref<80xi32, #tpu.memory_space<vmem>>
        %dma_start3A_138 = arith.constant 0 : i32
        %dma_start3A_139 = arith.constant 0 : i32
        %dma_start3A_140 = tpu.memref_slice %arg15[%dma_start3A_138, %dma_start3A_139] : memref<20008x64xf32, #tpu.memory_space<vmem_shared>> -> memref<20008x64xf32, #tpu.memory_space<vmem_shared>>
        tpu.enqueue_indirect_dma source(%arg12 : memref<80x64xf32, #tpu.memory_space<vmem>>) target(%dma_start3A_140 : memref<20008x64xf32, #tpu.memory_space<vmem_shared>>) offsets(%dma_start3A_137 : memref<80xi32, #tpu.memory_space<vmem>>) semaphore(%arg20 : memref<!tpu.dma_semaphore, #tpu.memory_space<semaphore_mem>>) {add = true}
        %add3A_141 = arith.constant 2 : i32
        %add3A_142 = arith.addi %add3A_105, %add3A_141 : i32
        %lt3A_143 = arith.constant 125 : i32
        %lt3A_144 = arith.cmpi slt, %add3A_142, %lt3A_143 : i32
        %convert_element_type3A_145 = arith.extui %lt3A_144 : i1 to i32
        %cond3A_146 = arith.constant 0 : i32
        %cond3A_147 = arith.cmpi ne, %convert_element_type3A_145, %cond3A_146 : i32
        scf.if %cond3A_147 {
          %add3A_148 = arith.constant 2 : i32
          %add3A_149 = arith.addi %add3A_105, %add3A_148 : i32
          %mul3A_150 = arith.constant 10000 : i32
          %mul3A_151 = arith.muli %add3A, %mul3A_150 : i32
          %mul3A_152 = arith.constant 80 : i32
          %mul3A_153 = arith.muli %add3A_149, %mul3A_152 : i32
          %add3A_154 = arith.addi %mul3A_151, %mul3A_153 : i32
          %jit3A_155 = arith.constant 2 : i32
          %div3A_156 = arith.divsi %add3A_154, %jit3A_155 : i32
          %sign3A_157 = arith.constant 0 : i32
          %sign3A_158 = arith.cmpi sgt, %add3A_154, %sign3A_157 : i32
          %sign3A_159 = arith.extui %sign3A_158 : i1 to i32
          %sign3A_160 = arith.constant 0 : i32
          %sign3A_161 = arith.cmpi slt, %add3A_154, %sign3A_160 : i32
          %sign3A_162 = arith.extui %sign3A_161 : i1 to i32
          %sign3A_163 = arith.subi %sign3A_159, %sign3A_162 : i32
          %sign3A_164 = arith.constant 0 : i32
          %sign3A_165 = arith.cmpi sgt, %jit3A_155, %sign3A_164 : i32
          %sign3A_166 = arith.extui %sign3A_165 : i1 to i32
          %sign3A_167 = arith.constant 0 : i32
          %sign3A_168 = arith.cmpi slt, %jit3A_155, %sign3A_167 : i32
          %sign3A_169 = arith.extui %sign3A_168 : i1 to i32
          %sign3A_170 = arith.subi %sign3A_166, %sign3A_169 : i32
          %ne3A_171 = arith.cmpi ne, %sign3A_163, %sign3A_170 : i32
          %rem3A_172 = arith.remsi %add3A_154, %jit3A_155 : i32
          %ne3A_173 = arith.constant 0 : i32
          %ne3A_174 = arith.cmpi ne, %rem3A_172, %ne3A_173 : i32
          %and3A_175 = arith.andi %ne3A_171, %ne3A_174 : i1
          %sub3A_176 = arith.constant 1 : i32
          %sub3A_177 = arith.subi %div3A_156, %sub3A_176 : i32
          %select_n3A_178 = arith.select %and3A_175, %sub3A_177, %div3A_156 : i32
          %dma_start3A_179 = arith.constant 0 : i32
          %dma_start3A_180 = tpu.memref_slice %arg3[%select_n3A_178, %dma_start3A_179] : memref<160000x128xf32, #tpu.memory_space<hbm>> -> memref<40x128xf32, #tpu.memory_space<hbm>>
          %dma_start3A_181 = arith.constant 0 : i32
          %dma_start3A_182 = tpu.memref_slice %arg3[%select_n3A_178, %dma_start3A_181] : memref<160000x128xf32, #tpu.memory_space<hbm>> -> memref<40x128xf32, #tpu.memory_space<hbm>>
          tpu.enqueue_dma source(%dma_start3A_182 : memref<40x128xf32, #tpu.memory_space<hbm>>) target(%arg10 : memref<40x128xf32, #tpu.memory_space<vmem>>) target_semaphore(%arg18 : memref<!tpu.dma_semaphore, #tpu.memory_space<semaphore_mem>>)
          %dma_start3A_183 = arith.constant 0 : i32
          %dma_start3A_184 = tpu.memref_slice %arg7[%add3A_149, %dma_start3A_183] : memref<125x80xi32, #tpu.memory_space<vmem>> -> memref<1x80xi32, #tpu.memory_space<vmem>>
          %dma_start3A_185 = tpu.memref_squeeze %dma_start3A_184 : memref<1x80xi32, #tpu.memory_space<vmem>> -> memref<80xi32, #tpu.memory_space<vmem>>
          %dma_start3A_186 = arith.constant 0 : i32
          %dma_start3A_187 = arith.constant 0 : i32
          %dma_start3A_188 = tpu.memref_slice %arg2[%dma_start3A_186, %dma_start3A_187] : memref<20008x64xf32, #tpu.memory_space<hbm>> -> memref<20008x64xf32, #tpu.memory_space<hbm>>
          tpu.enqueue_indirect_dma source(%dma_start3A_188 : memref<20008x64xf32, #tpu.memory_space<hbm>>) target(%arg8 : memref<80x64xf32, #tpu.memory_space<vmem>>) offsets(%dma_start3A_185 : memref<80xi32, #tpu.memory_space<vmem>>) semaphore(%arg16 : memref<!tpu.dma_semaphore, #tpu.memory_space<semaphore_mem>>)
        } else {
        }
      } else {
      }
      %mul3A_108 = arith.constant 2 : i32
      %mul3A_109 = arith.muli %mul3A_108, %scan3A_101 : i32
      %add3A_110 = arith.constant 1 : i32
      %add3A_111 = arith.addi %mul3A_109, %add3A_110 : i32
      %lt3A_112 = arith.constant 125 : i32
      %lt3A_113 = arith.cmpi slt, %add3A_111, %lt3A_112 : i32
      %convert_element_type3A_114 = arith.extui %lt3A_113 : i1 to i32
      %cond3A_115 = arith.constant 0 : i32
      %cond3A_116 = arith.cmpi ne, %convert_element_type3A_114, %cond3A_115 : i32
      scf.if %cond3A_116 {
        %dma_wait3A_117 = arith.constant 0 : i32
        %dma_wait3A_118 = arith.constant 0 : i32
        %dma_wait3A_119 = tpu.memref_slice %arg3[%dma_wait3A_117, %dma_wait3A_118] : memref<160000x128xf32, #tpu.memory_space<hbm>> -> memref<40x128xf32, #tpu.memory_space<hbm>>
        %dma_wait3A_120 = arith.constant 0 : i32
        %dma_wait3A_121 = arith.constant 0 : i32
        %dma_wait3A_122 = tpu.memref_slice %arg3[%dma_wait3A_120, %dma_wait3A_121] : memref<160000x128xf32, #tpu.memory_space<hbm>> -> memref<40x128xf32, #tpu.memory_space<hbm>>
        tpu.wait_dma2 semaphore(%arg19 : memref<!tpu.dma_semaphore, #tpu.memory_space<semaphore_mem>>) src(%dma_wait3A_122 : memref<40x128xf32, #tpu.memory_space<hbm>>) dst(%arg11 : memref<40x128xf32, #tpu.memory_space<vmem>>)
        %dma_wait3A_123 = arith.constant 0 : i32
        %dma_wait3A_124 = arith.constant 0 : i32
        %dma_wait3A_125 = tpu.memref_slice %arg2[%dma_wait3A_123, %dma_wait3A_124] : memref<20008x64xf32, #tpu.memory_space<hbm>> -> memref<80x64xf32, #tpu.memory_space<hbm>>
        %dma_wait3A_126 = arith.constant 0 : i32
        %dma_wait3A_127 = arith.constant 0 : i32
        %dma_wait3A_128 = tpu.memref_slice %arg2[%dma_wait3A_126, %dma_wait3A_127] : memref<20008x64xf32, #tpu.memory_space<hbm>> -> memref<80x64xf32, #tpu.memory_space<hbm>>
        tpu.wait_dma2 semaphore(%arg17 : memref<!tpu.dma_semaphore, #tpu.memory_space<semaphore_mem>>) src(%dma_wait3A_128 : memref<80x64xf32, #tpu.memory_space<hbm>>) dst(%arg9 : memref<80x64xf32, #tpu.memory_space<vmem>>)
        %ge3A = arith.constant 2 : i32
        %ge3A_129 = arith.cmpi sge, %add3A_111, %ge3A : i32
        %convert_element_type3A_130 = arith.extui %ge3A_129 : i1 to i32
        %cond3A_131 = arith.constant 0 : i32
        %cond3A_132 = arith.cmpi ne, %convert_element_type3A_130, %cond3A_131 : i32
        scf.if %cond3A_132 {
          %dma_wait3A_148 = arith.constant 0 : i32
          %dma_wait3A_149 = arith.constant 0 : i32
          %dma_wait3A_150 = tpu.memref_slice %arg2[%dma_wait3A_148, %dma_wait3A_149] : memref<20008x64xf32, #tpu.memory_space<hbm>> -> memref<80x64xf32, #tpu.memory_space<hbm>>
          %dma_wait3A_151 = arith.constant 0 : i32
          %dma_wait3A_152 = arith.constant 0 : i32
          %dma_wait3A_153 = tpu.memref_slice %arg2[%dma_wait3A_151, %dma_wait3A_152] : memref<20008x64xf32, #tpu.memory_space<hbm>> -> memref<80x64xf32, #tpu.memory_space<hbm>>
          tpu.wait_dma2 semaphore(%arg21 : memref<!tpu.dma_semaphore, #tpu.memory_space<semaphore_mem>>) src(%dma_wait3A_153 : memref<80x64xf32, #tpu.memory_space<hbm>>) dst(%arg13 : memref<80x64xf32, #tpu.memory_space<vmem>>)
        } else {
        }
        %parallel_loop3A = arith.constant 0 : i32
        %parallel_loop3A_133 = arith.constant 40 : i32
        %parallel_loop3A_134 = arith.constant 1 : i32
        scf.for %parallel_loop3A_148 = %parallel_loop3A to %parallel_loop3A_133 step %parallel_loop3A_134  : i32 {
          %parallel_loop3A_149 = arith.index_cast %parallel_loop3A_148 : i32 to index
          %parallel_loop3A_150 = arith.constant 0 : index
          %parallel_loop3A_151 = tpu.vector_load %arg9[%parallel_loop3A_149, %parallel_loop3A_150] {strides = array<i32>} : memref<80x64xf32, #tpu.memory_space<vmem>>, vector<1x16xf32>,
          %parallel_loop3A_152 = vector.shape_cast %parallel_loop3A_151 : vector<1x16xf32> to vector<16xf32>
          %parallel_loop3A_153 = arith.index_cast %parallel_loop3A_148 : i32 to index
          %parallel_loop3A_154 = arith.constant 0 : index
          %parallel_loop3A_155 = tpu.vector_load %arg11[%parallel_loop3A_153, %parallel_loop3A_154] {strides = array<i32>} : memref<40x128xf32, #tpu.memory_space<vmem>>, vector<1x16xf32>,
          %parallel_loop3A_156 = vector.shape_cast %parallel_loop3A_155 : vector<1x16xf32> to vector<16xf32>
          %parallel_loop3A_157 = arith.addf %parallel_loop3A_152, %parallel_loop3A_156 : vector<16xf32>
          %parallel_loop3A_158 = arith.constant 0.000000e+00 : f32
          %parallel_loop3A_159 = vector.broadcast %parallel_loop3A_158 : f32 to vector<16xf32>
          %parallel_loop3A_160 = arith.maximumf %parallel_loop3A_157, %parallel_loop3A_159 : vector<16xf32>
          %parallel_loop3A_161 = arith.index_cast %parallel_loop3A_148 : i32 to index
          %parallel_loop3A_162 = arith.constant 0 : index
          %parallel_loop3A_163 = tpu.vector_load %arg13[%parallel_loop3A_161, %parallel_loop3A_162] {strides = array<i32>} : memref<80x64xf32, #tpu.memory_space<vmem>>, vector<1x16xf32>,
          %parallel_loop3A_164 = vector.shape_cast %parallel_loop3A_163 : vector<1x16xf32> to vector<16xf32>
          %parallel_loop3A_165 = vector.shape_cast %parallel_loop3A_160 : vector<16xf32> to vector<1x16xf32>
          tpu.vector_store %arg13[%parallel_loop3A_161, %parallel_loop3A_162], %parallel_loop3A_165 {strides = array<i32>} : memref<80x64xf32, #tpu.memory_space<vmem>>, vector<1x16xf32>,
          %parallel_loop3A_166 = arith.constant 40 : i32
          %parallel_loop3A_167 = arith.addi %parallel_loop3A_166, %parallel_loop3A_148 : i32
          %parallel_loop3A_168 = arith.index_cast %parallel_loop3A_167 : i32 to index
          %parallel_loop3A_169 = arith.constant 0 : index
          %parallel_loop3A_170 = tpu.vector_load %arg9[%parallel_loop3A_168, %parallel_loop3A_169] {strides = array<i32>} : memref<80x64xf32, #tpu.memory_space<vmem>>, vector<1x16xf32>,
          %parallel_loop3A_171 = vector.shape_cast %parallel_loop3A_170 : vector<1x16xf32> to vector<16xf32>
          %parallel_loop3A_172 = arith.index_cast %parallel_loop3A_148 : i32 to index
          %parallel_loop3A_173 = arith.constant 64 : index
          %parallel_loop3A_174 = tpu.vector_load %arg11[%parallel_loop3A_172, %parallel_loop3A_173] {strides = array<i32>} : memref<40x128xf32, #tpu.memory_space<vmem>>, vector<1x16xf32>,
          %parallel_loop3A_175 = vector.shape_cast %parallel_loop3A_174 : vector<1x16xf32> to vector<16xf32>
          %parallel_loop3A_176 = arith.addf %parallel_loop3A_171, %parallel_loop3A_175 : vector<16xf32>
          %parallel_loop3A_177 = arith.constant 0.000000e+00 : f32
          %parallel_loop3A_178 = vector.broadcast %parallel_loop3A_177 : f32 to vector<16xf32>
          %parallel_loop3A_179 = arith.maximumf %parallel_loop3A_176, %parallel_loop3A_178 : vector<16xf32>
          %parallel_loop3A_180 = arith.constant 40 : i32
          %parallel_loop3A_181 = arith.addi %parallel_loop3A_180, %parallel_loop3A_148 : i32
          %parallel_loop3A_182 = arith.index_cast %parallel_loop3A_181 : i32 to index
          %parallel_loop3A_183 = arith.constant 0 : index
          %parallel_loop3A_184 = tpu.vector_load %arg13[%parallel_loop3A_182, %parallel_loop3A_183] {strides = array<i32>} : memref<80x64xf32, #tpu.memory_space<vmem>>, vector<1x16xf32>,
          %parallel_loop3A_185 = vector.shape_cast %parallel_loop3A_184 : vector<1x16xf32> to vector<16xf32>
          %parallel_loop3A_186 = vector.shape_cast %parallel_loop3A_179 : vector<16xf32> to vector<1x16xf32>
          tpu.vector_store %arg13[%parallel_loop3A_182, %parallel_loop3A_183], %parallel_loop3A_186 {strides = array<i32>} : memref<80x64xf32, #tpu.memory_space<vmem>>, vector<1x16xf32>,
          %parallel_loop3A_187 = arith.index_cast %parallel_loop3A_148 : i32 to index
          %parallel_loop3A_188 = arith.constant 16 : index
          %parallel_loop3A_189 = tpu.vector_load %arg9[%parallel_loop3A_187, %parallel_loop3A_188] {strides = array<i32>} : memref<80x64xf32, #tpu.memory_space<vmem>>, vector<1x16xf32>,
          %parallel_loop3A_190 = vector.shape_cast %parallel_loop3A_189 : vector<1x16xf32> to vector<16xf32>
          %parallel_loop3A_191 = arith.index_cast %parallel_loop3A_148 : i32 to index
          %parallel_loop3A_192 = arith.constant 16 : index
          %parallel_loop3A_193 = tpu.vector_load %arg11[%parallel_loop3A_191, %parallel_loop3A_192] {strides = array<i32>} : memref<40x128xf32, #tpu.memory_space<vmem>>, vector<1x16xf32>,
          %parallel_loop3A_194 = vector.shape_cast %parallel_loop3A_193 : vector<1x16xf32> to vector<16xf32>
          %parallel_loop3A_195 = arith.addf %parallel_loop3A_190, %parallel_loop3A_194 : vector<16xf32>
          %parallel_loop3A_196 = arith.constant 0.000000e+00 : f32
          %parallel_loop3A_197 = vector.broadcast %parallel_loop3A_196 : f32 to vector<16xf32>
          %parallel_loop3A_198 = arith.maximumf %parallel_loop3A_195, %parallel_loop3A_197 : vector<16xf32>
          %parallel_loop3A_199 = arith.index_cast %parallel_loop3A_148 : i32 to index
          %parallel_loop3A_200 = arith.constant 16 : index
          %parallel_loop3A_201 = tpu.vector_load %arg13[%parallel_loop3A_199, %parallel_loop3A_200] {strides = array<i32>} : memref<80x64xf32, #tpu.memory_space<vmem>>, vector<1x16xf32>,
          %parallel_loop3A_202 = vector.shape_cast %parallel_loop3A_201 : vector<1x16xf32> to vector<16xf32>
          %parallel_loop3A_203 = vector.shape_cast %parallel_loop3A_198 : vector<16xf32> to vector<1x16xf32>
          tpu.vector_store %arg13[%parallel_loop3A_199, %parallel_loop3A_200], %parallel_loop3A_203 {strides = array<i32>} : memref<80x64xf32, #tpu.memory_space<vmem>>, vector<1x16xf32>,
          %parallel_loop3A_204 = arith.constant 40 : i32
          %parallel_loop3A_205 = arith.addi %parallel_loop3A_204, %parallel_loop3A_148 : i32
          %parallel_loop3A_206 = arith.index_cast %parallel_loop3A_205 : i32 to index
          %parallel_loop3A_207 = arith.constant 16 : index
          %parallel_loop3A_208 = tpu.vector_load %arg9[%parallel_loop3A_206, %parallel_loop3A_207] {strides = array<i32>} : memref<80x64xf32, #tpu.memory_space<vmem>>, vector<1x16xf32>,
          %parallel_loop3A_209 = vector.shape_cast %parallel_loop3A_208 : vector<1x16xf32> to vector<16xf32>
          %parallel_loop3A_210 = arith.index_cast %parallel_loop3A_148 : i32 to index
          %parallel_loop3A_211 = arith.constant 80 : index
          %parallel_loop3A_212 = tpu.vector_load %arg11[%parallel_loop3A_210, %parallel_loop3A_211] {strides = array<i32>} : memref<40x128xf32, #tpu.memory_space<vmem>>, vector<1x16xf32>,
          %parallel_loop3A_213 = vector.shape_cast %parallel_loop3A_212 : vector<1x16xf32> to vector<16xf32>
          %parallel_loop3A_214 = arith.addf %parallel_loop3A_209, %parallel_loop3A_213 : vector<16xf32>
          %parallel_loop3A_215 = arith.constant 0.000000e+00 : f32
          %parallel_loop3A_216 = vector.broadcast %parallel_loop3A_215 : f32 to vector<16xf32>
          %parallel_loop3A_217 = arith.maximumf %parallel_loop3A_214, %parallel_loop3A_216 : vector<16xf32>
          %parallel_loop3A_218 = arith.constant 40 : i32
          %parallel_loop3A_219 = arith.addi %parallel_loop3A_218, %parallel_loop3A_148 : i32
          %parallel_loop3A_220 = arith.index_cast %parallel_loop3A_219 : i32 to index
          %parallel_loop3A_221 = arith.constant 16 : index
          %parallel_loop3A_222 = tpu.vector_load %arg13[%parallel_loop3A_220, %parallel_loop3A_221] {strides = array<i32>} : memref<80x64xf32, #tpu.memory_space<vmem>>, vector<1x16xf32>,
          %parallel_loop3A_223 = vector.shape_cast %parallel_loop3A_222 : vector<1x16xf32> to vector<16xf32>
          %parallel_loop3A_224 = vector.shape_cast %parallel_loop3A_217 : vector<16xf32> to vector<1x16xf32>
          tpu.vector_store %arg13[%parallel_loop3A_220, %parallel_loop3A_221], %parallel_loop3A_224 {strides = array<i32>} : memref<80x64xf32, #tpu.memory_space<vmem>>, vector<1x16xf32>,
          %parallel_loop3A_225 = arith.index_cast %parallel_loop3A_148 : i32 to index
          %parallel_loop3A_226 = arith.constant 32 : index
          %parallel_loop3A_227 = tpu.vector_load %arg9[%parallel_loop3A_225, %parallel_loop3A_226] {strides = array<i32>} : memref<80x64xf32, #tpu.memory_space<vmem>>, vector<1x16xf32>,
          %parallel_loop3A_228 = vector.shape_cast %parallel_loop3A_227 : vector<1x16xf32> to vector<16xf32>
          %parallel_loop3A_229 = arith.index_cast %parallel_loop3A_148 : i32 to index
          %parallel_loop3A_230 = arith.constant 32 : index
          %parallel_loop3A_231 = tpu.vector_load %arg11[%parallel_loop3A_229, %parallel_loop3A_230] {strides = array<i32>} : memref<40x128xf32, #tpu.memory_space<vmem>>, vector<1x16xf32>,
          %parallel_loop3A_232 = vector.shape_cast %parallel_loop3A_231 : vector<1x16xf32> to vector<16xf32>
          %parallel_loop3A_233 = arith.addf %parallel_loop3A_228, %parallel_loop3A_232 : vector<16xf32>
          %parallel_loop3A_234 = arith.constant 0.000000e+00 : f32
          %parallel_loop3A_235 = vector.broadcast %parallel_loop3A_234 : f32 to vector<16xf32>
          %parallel_loop3A_236 = arith.maximumf %parallel_loop3A_233, %parallel_loop3A_235 : vector<16xf32>
          %parallel_loop3A_237 = arith.index_cast %parallel_loop3A_148 : i32 to index
          %parallel_loop3A_238 = arith.constant 32 : index
          %parallel_loop3A_239 = tpu.vector_load %arg13[%parallel_loop3A_237, %parallel_loop3A_238] {strides = array<i32>} : memref<80x64xf32, #tpu.memory_space<vmem>>, vector<1x16xf32>,
          %parallel_loop3A_240 = vector.shape_cast %parallel_loop3A_239 : vector<1x16xf32> to vector<16xf32>
          %parallel_loop3A_241 = vector.shape_cast %parallel_loop3A_236 : vector<16xf32> to vector<1x16xf32>
          tpu.vector_store %arg13[%parallel_loop3A_237, %parallel_loop3A_238], %parallel_loop3A_241 {strides = array<i32>} : memref<80x64xf32, #tpu.memory_space<vmem>>, vector<1x16xf32>,
          %parallel_loop3A_242 = arith.constant 40 : i32
          %parallel_loop3A_243 = arith.addi %parallel_loop3A_242, %parallel_loop3A_148 : i32
          %parallel_loop3A_244 = arith.index_cast %parallel_loop3A_243 : i32 to index
          %parallel_loop3A_245 = arith.constant 32 : index
          %parallel_loop3A_246 = tpu.vector_load %arg9[%parallel_loop3A_244, %parallel_loop3A_245] {strides = array<i32>} : memref<80x64xf32, #tpu.memory_space<vmem>>, vector<1x16xf32>,
          %parallel_loop3A_247 = vector.shape_cast %parallel_loop3A_246 : vector<1x16xf32> to vector<16xf32>
          %parallel_loop3A_248 = arith.index_cast %parallel_loop3A_148 : i32 to index
          %parallel_loop3A_249 = arith.constant 96 : index
          %parallel_loop3A_250 = tpu.vector_load %arg11[%parallel_loop3A_248, %parallel_loop3A_249] {strides = array<i32>} : memref<40x128xf32, #tpu.memory_space<vmem>>, vector<1x16xf32>,
          %parallel_loop3A_251 = vector.shape_cast %parallel_loop3A_250 : vector<1x16xf32> to vector<16xf32>
          %parallel_loop3A_252 = arith.addf %parallel_loop3A_247, %parallel_loop3A_251 : vector<16xf32>
          %parallel_loop3A_253 = arith.constant 0.000000e+00 : f32
          %parallel_loop3A_254 = vector.broadcast %parallel_loop3A_253 : f32 to vector<16xf32>
          %parallel_loop3A_255 = arith.maximumf %parallel_loop3A_252, %parallel_loop3A_254 : vector<16xf32>
          %parallel_loop3A_256 = arith.constant 40 : i32
          %parallel_loop3A_257 = arith.addi %parallel_loop3A_256, %parallel_loop3A_148 : i32
          %parallel_loop3A_258 = arith.index_cast %parallel_loop3A_257 : i32 to index
          %parallel_loop3A_259 = arith.constant 32 : index
          %parallel_loop3A_260 = tpu.vector_load %arg13[%parallel_loop3A_258, %parallel_loop3A_259] {strides = array<i32>} : memref<80x64xf32, #tpu.memory_space<vmem>>, vector<1x16xf32>,
          %parallel_loop3A_261 = vector.shape_cast %parallel_loop3A_260 : vector<1x16xf32> to vector<16xf32>
          %parallel_loop3A_262 = vector.shape_cast %parallel_loop3A_255 : vector<16xf32> to vector<1x16xf32>
          tpu.vector_store %arg13[%parallel_loop3A_258, %parallel_loop3A_259], %parallel_loop3A_262 {strides = array<i32>} : memref<80x64xf32, #tpu.memory_space<vmem>>, vector<1x16xf32>,
          %parallel_loop3A_263 = arith.index_cast %parallel_loop3A_148 : i32 to index
          %parallel_loop3A_264 = arith.constant 48 : index
          %parallel_loop3A_265 = tpu.vector_load %arg9[%parallel_loop3A_263, %parallel_loop3A_264] {strides = array<i32>} : memref<80x64xf32, #tpu.memory_space<vmem>>, vector<1x16xf32>,
          %parallel_loop3A_266 = vector.shape_cast %parallel_loop3A_265 : vector<1x16xf32> to vector<16xf32>
          %parallel_loop3A_267 = arith.index_cast %parallel_loop3A_148 : i32 to index
          %parallel_loop3A_268 = arith.constant 48 : index
          %parallel_loop3A_269 = tpu.vector_load %arg11[%parallel_loop3A_267, %parallel_loop3A_268] {strides = array<i32>} : memref<40x128xf32, #tpu.memory_space<vmem>>, vector<1x16xf32>,
          %parallel_loop3A_270 = vector.shape_cast %parallel_loop3A_269 : vector<1x16xf32> to vector<16xf32>
          %parallel_loop3A_271 = arith.addf %parallel_loop3A_266, %parallel_loop3A_270 : vector<16xf32>
          %parallel_loop3A_272 = arith.constant 0.000000e+00 : f32
          %parallel_loop3A_273 = vector.broadcast %parallel_loop3A_272 : f32 to vector<16xf32>
          %parallel_loop3A_274 = arith.maximumf %parallel_loop3A_271, %parallel_loop3A_273 : vector<16xf32>
          %parallel_loop3A_275 = arith.index_cast %parallel_loop3A_148 : i32 to index
          %parallel_loop3A_276 = arith.constant 48 : index
          %parallel_loop3A_277 = tpu.vector_load %arg13[%parallel_loop3A_275, %parallel_loop3A_276] {strides = array<i32>} : memref<80x64xf32, #tpu.memory_space<vmem>>, vector<1x16xf32>,
          %parallel_loop3A_278 = vector.shape_cast %parallel_loop3A_277 : vector<1x16xf32> to vector<16xf32>
          %parallel_loop3A_279 = vector.shape_cast %parallel_loop3A_274 : vector<16xf32> to vector<1x16xf32>
          tpu.vector_store %arg13[%parallel_loop3A_275, %parallel_loop3A_276], %parallel_loop3A_279 {strides = array<i32>} : memref<80x64xf32, #tpu.memory_space<vmem>>, vector<1x16xf32>,
          %parallel_loop3A_280 = arith.constant 40 : i32
          %parallel_loop3A_281 = arith.addi %parallel_loop3A_280, %parallel_loop3A_148 : i32
          %parallel_loop3A_282 = arith.index_cast %parallel_loop3A_281 : i32 to index
          %parallel_loop3A_283 = arith.constant 48 : index
          %parallel_loop3A_284 = tpu.vector_load %arg9[%parallel_loop3A_282, %parallel_loop3A_283] {strides = array<i32>} : memref<80x64xf32, #tpu.memory_space<vmem>>, vector<1x16xf32>,
          %parallel_loop3A_285 = vector.shape_cast %parallel_loop3A_284 : vector<1x16xf32> to vector<16xf32>
          %parallel_loop3A_286 = arith.index_cast %parallel_loop3A_148 : i32 to index
          %parallel_loop3A_287 = arith.constant 112 : index
          %parallel_loop3A_288 = tpu.vector_load %arg11[%parallel_loop3A_286, %parallel_loop3A_287] {strides = array<i32>} : memref<40x128xf32, #tpu.memory_space<vmem>>, vector<1x16xf32>,
          %parallel_loop3A_289 = vector.shape_cast %parallel_loop3A_288 : vector<1x16xf32> to vector<16xf32>
          %parallel_loop3A_290 = arith.addf %parallel_loop3A_285, %parallel_loop3A_289 : vector<16xf32>
          %parallel_loop3A_291 = arith.constant 0.000000e+00 : f32
          %parallel_loop3A_292 = vector.broadcast %parallel_loop3A_291 : f32 to vector<16xf32>
          %parallel_loop3A_293 = arith.maximumf %parallel_loop3A_290, %parallel_loop3A_292 : vector<16xf32>
          %parallel_loop3A_294 = arith.constant 40 : i32
          %parallel_loop3A_295 = arith.addi %parallel_loop3A_294, %parallel_loop3A_148 : i32
          %parallel_loop3A_296 = arith.index_cast %parallel_loop3A_295 : i32 to index
          %parallel_loop3A_297 = arith.constant 48 : index
          %parallel_loop3A_298 = tpu.vector_load %arg13[%parallel_loop3A_296, %parallel_loop3A_297] {strides = array<i32>} : memref<80x64xf32, #tpu.memory_space<vmem>>, vector<1x16xf32>,
          %parallel_loop3A_299 = vector.shape_cast %parallel_loop3A_298 : vector<1x16xf32> to vector<16xf32>
          %parallel_loop3A_300 = vector.shape_cast %parallel_loop3A_293 : vector<16xf32> to vector<1x16xf32>
          tpu.vector_store %arg13[%parallel_loop3A_296, %parallel_loop3A_297], %parallel_loop3A_300 {strides = array<i32>} : memref<80x64xf32, #tpu.memory_space<vmem>>, vector<1x16xf32>,
        } {sc.loop_unroll_factor = 4 : i64, sc.parallel_access}
        %dma_start3A_135 = arith.constant 0 : i32
        %dma_start3A_136 = tpu.memref_slice %arg7[%add3A_111, %dma_start3A_135] : memref<125x80xi32, #tpu.memory_space<vmem>> -> memref<1x80xi32, #tpu.memory_space<vmem>>
        %dma_start3A_137 = tpu.memref_squeeze %dma_start3A_136 : memref<1x80xi32, #tpu.memory_space<vmem>> -> memref<80xi32, #tpu.memory_space<vmem>>
        %dma_start3A_138 = arith.constant 0 : i32
        %dma_start3A_139 = arith.constant 0 : i32
        %dma_start3A_140 = tpu.memref_slice %arg15[%dma_start3A_138, %dma_start3A_139] : memref<20008x64xf32, #tpu.memory_space<vmem_shared>> -> memref<20008x64xf32, #tpu.memory_space<vmem_shared>>
        tpu.enqueue_indirect_dma source(%arg13 : memref<80x64xf32, #tpu.memory_space<vmem>>) target(%dma_start3A_140 : memref<20008x64xf32, #tpu.memory_space<vmem_shared>>) offsets(%dma_start3A_137 : memref<80xi32, #tpu.memory_space<vmem>>) semaphore(%arg21 : memref<!tpu.dma_semaphore, #tpu.memory_space<semaphore_mem>>) {add = true}
        %add3A_141 = arith.constant 2 : i32
        %add3A_142 = arith.addi %add3A_111, %add3A_141 : i32
        %lt3A_143 = arith.constant 125 : i32
        %lt3A_144 = arith.cmpi slt, %add3A_142, %lt3A_143 : i32
        %convert_element_type3A_145 = arith.extui %lt3A_144 : i1 to i32
        %cond3A_146 = arith.constant 0 : i32
        %cond3A_147 = arith.cmpi ne, %convert_element_type3A_145, %cond3A_146 : i32
        scf.if %cond3A_147 {
          %add3A_148 = arith.constant 2 : i32
          %add3A_149 = arith.addi %add3A_111, %add3A_148 : i32
          %mul3A_150 = arith.constant 10000 : i32
          %mul3A_151 = arith.muli %add3A, %mul3A_150 : i32
          %mul3A_152 = arith.constant 80 : i32
          %mul3A_153 = arith.muli %add3A_149, %mul3A_152 : i32
          %add3A_154 = arith.addi %mul3A_151, %mul3A_153 : i32
          %jit3A_155 = arith.constant 2 : i32
          %div3A_156 = arith.divsi %add3A_154, %jit3A_155 : i32
          %sign3A_157 = arith.constant 0 : i32
          %sign3A_158 = arith.cmpi sgt, %add3A_154, %sign3A_157 : i32
          %sign3A_159 = arith.extui %sign3A_158 : i1 to i32
          %sign3A_160 = arith.constant 0 : i32
          %sign3A_161 = arith.cmpi slt, %add3A_154, %sign3A_160 : i32
          %sign3A_162 = arith.extui %sign3A_161 : i1 to i32
          %sign3A_163 = arith.subi %sign3A_159, %sign3A_162 : i32
          %sign3A_164 = arith.constant 0 : i32
          %sign3A_165 = arith.cmpi sgt, %jit3A_155, %sign3A_164 : i32
          %sign3A_166 = arith.extui %sign3A_165 : i1 to i32
          %sign3A_167 = arith.constant 0 : i32
          %sign3A_168 = arith.cmpi slt, %jit3A_155, %sign3A_167 : i32
          %sign3A_169 = arith.extui %sign3A_168 : i1 to i32
          %sign3A_170 = arith.subi %sign3A_166, %sign3A_169 : i32
          %ne3A_171 = arith.cmpi ne, %sign3A_163, %sign3A_170 : i32
          %rem3A_172 = arith.remsi %add3A_154, %jit3A_155 : i32
          %ne3A_173 = arith.constant 0 : i32
          %ne3A_174 = arith.cmpi ne, %rem3A_172, %ne3A_173 : i32
          %and3A_175 = arith.andi %ne3A_171, %ne3A_174 : i1
          %sub3A_176 = arith.constant 1 : i32
          %sub3A_177 = arith.subi %div3A_156, %sub3A_176 : i32
          %select_n3A_178 = arith.select %and3A_175, %sub3A_177, %div3A_156 : i32
          %dma_start3A_179 = arith.constant 0 : i32
          %dma_start3A_180 = tpu.memref_slice %arg3[%select_n3A_178, %dma_start3A_179] : memref<160000x128xf32, #tpu.memory_space<hbm>> -> memref<40x128xf32, #tpu.memory_space<hbm>>
          %dma_start3A_181 = arith.constant 0 : i32
          %dma_start3A_182 = tpu.memref_slice %arg3[%select_n3A_178, %dma_start3A_181] : memref<160000x128xf32, #tpu.memory_space<hbm>> -> memref<40x128xf32, #tpu.memory_space<hbm>>
          tpu.enqueue_dma source(%dma_start3A_182 : memref<40x128xf32, #tpu.memory_space<hbm>>) target(%arg11 : memref<40x128xf32, #tpu.memory_space<vmem>>) target_semaphore(%arg19 : memref<!tpu.dma_semaphore, #tpu.memory_space<semaphore_mem>>)
          %dma_start3A_183 = arith.constant 0 : i32
          %dma_start3A_184 = tpu.memref_slice %arg7[%add3A_149, %dma_start3A_183] : memref<125x80xi32, #tpu.memory_space<vmem>> -> memref<1x80xi32, #tpu.memory_space<vmem>>
          %dma_start3A_185 = tpu.memref_squeeze %dma_start3A_184 : memref<1x80xi32, #tpu.memory_space<vmem>> -> memref<80xi32, #tpu.memory_space<vmem>>
          %dma_start3A_186 = arith.constant 0 : i32
          %dma_start3A_187 = arith.constant 0 : i32
          %dma_start3A_188 = tpu.memref_slice %arg2[%dma_start3A_186, %dma_start3A_187] : memref<20008x64xf32, #tpu.memory_space<hbm>> -> memref<20008x64xf32, #tpu.memory_space<hbm>>
          tpu.enqueue_indirect_dma source(%dma_start3A_188 : memref<20008x64xf32, #tpu.memory_space<hbm>>) target(%arg9 : memref<80x64xf32, #tpu.memory_space<vmem>>) offsets(%dma_start3A_185 : memref<80xi32, #tpu.memory_space<vmem>>) semaphore(%arg17 : memref<!tpu.dma_semaphore, #tpu.memory_space<semaphore_mem>>)
        } else {
        }
      } else {
      }
    }
    %scan3A_82 = arith.constant 63 : i32
    %dma_wait3A = arith.constant 0 : i32
    %dma_wait3A_83 = arith.constant 0 : i32
    %dma_wait3A_84 = tpu.memref_slice %arg2[%dma_wait3A, %dma_wait3A_83] : memref<20008x64xf32, #tpu.memory_space<hbm>> -> memref<80x64xf32, #tpu.memory_space<hbm>>
    %dma_wait3A_85 = arith.constant 0 : i32
    %dma_wait3A_86 = arith.constant 0 : i32
    %dma_wait3A_87 = tpu.memref_slice %arg2[%dma_wait3A_85, %dma_wait3A_86] : memref<20008x64xf32, #tpu.memory_space<hbm>> -> memref<80x64xf32, #tpu.memory_space<hbm>>
    tpu.wait_dma2 semaphore(%arg20 : memref<!tpu.dma_semaphore, #tpu.memory_space<semaphore_mem>>) src(%dma_wait3A_87 : memref<80x64xf32, #tpu.memory_space<hbm>>) dst(%arg12 : memref<80x64xf32, #tpu.memory_space<vmem>>)
    %dma_wait3A_88 = arith.constant 0 : i32
    %dma_wait3A_89 = arith.constant 0 : i32
    %dma_wait3A_90 = tpu.memref_slice %arg2[%dma_wait3A_88, %dma_wait3A_89] : memref<20008x64xf32, #tpu.memory_space<hbm>> -> memref<80x64xf32, #tpu.memory_space<hbm>>
    %dma_wait3A_91 = arith.constant 0 : i32
    %dma_wait3A_92 = arith.constant 0 : i32
    %dma_wait3A_93 = tpu.memref_slice %arg2[%dma_wait3A_91, %dma_wait3A_92] : memref<20008x64xf32, #tpu.memory_space<hbm>> -> memref<80x64xf32, #tpu.memory_space<hbm>>
    tpu.wait_dma2 semaphore(%arg21 : memref<!tpu.dma_semaphore, #tpu.memory_space<semaphore_mem>>) src(%dma_wait3A_93 : memref<80x64xf32, #tpu.memory_space<hbm>>) dst(%arg13 : memref<80x64xf32, #tpu.memory_space<vmem>>)
    %barrier3A_94 = arith.constant 0 : index
    tpu.barrier barrier_id(%barrier3A_94)
    %scan3A_95 = arith.constant 0 : i32
    %scan3A_96 = arith.constant 0 : i32
    %scan3A_97 = arith.constant 125 : i32
    %scan3A_98 = arith.addi %scan3A_96, %scan3A_97 : i32
    %scan3A_99 = arith.constant 1 : i32
    scf.for %scan3A_101 = %scan3A_96 to %scan3A_98 step %scan3A_99  : i32 {
      %jit3A_102 = arith.constant 16 : i32
      %eq3A = arith.constant 0 : i32
      %eq3A_103 = arith.cmpi eq, %jit3A_102, %eq3A : i32
      %jit3A_104 = arith.constant 1 : i32
      %select_n3A_105 = arith.select %eq3A_103, %jit3A_104, %jit3A_102 : i32
      %rem3A_106 = arith.remsi %scan3A_101, %select_n3A_105 : i32
      %ne3A_107 = arith.constant 0 : i32
      %ne3A_108 = arith.cmpi ne, %rem3A_106, %ne3A_107 : i32
      %lt3A = arith.constant 0 : i32
      %lt3A_109 = arith.cmpi slt, %rem3A_106, %lt3A : i32
      %lt3A_110 = arith.constant 0 : i32
      %lt3A_111 = arith.cmpi slt, %select_n3A_105, %lt3A_110 : i32
      %ne3A_112 = arith.xori %lt3A_109, %lt3A_111 : i1
      %and3A_113 = arith.andi %ne3A_112, %ne3A_108 : i1
      %add3A_114 = arith.addi %rem3A_106, %select_n3A_105 : i32
      %select_n3A_115 = arith.select %and3A_113, %add3A_114, %rem3A_106 : i32
      %eq3A_116 = arith.cmpi eq, %arg1, %select_n3A_115 : i32
      %convert_element_type3A = arith.extui %eq3A_116 : i1 to i32
      %cond3A = arith.constant 0 : i32
      %cond3A_117 = arith.cmpi ne, %convert_element_type3A, %cond3A : i32
      scf.if %cond3A_117 {
        %mul3A_118 = arith.constant 160 : i32
        %mul3A_119 = arith.muli %scan3A_101, %mul3A_118 : i32
        "tpu.region"() ({
          %run_scoped3A = tpu.sem_alloc : memref<!tpu.dma_semaphore, #tpu.memory_space<semaphore_mem>>
          %dma_start3A_122 = arith.constant 0 : i32
          %dma_start3A_123 = tpu.memref_slice %arg15[%mul3A_119, %dma_start3A_122] : memref<20008x64xf32, #tpu.memory_space<vmem_shared>> -> memref<160x64xf32, #tpu.memory_space<vmem_shared>>
          %dma_start3A_124 = arith.constant 0 : i32
          %dma_start3A_125 = tpu.memref_slice %arg15[%mul3A_119, %dma_start3A_124] : memref<20008x64xf32, #tpu.memory_space<vmem_shared>> -> memref<160x64xf32, #tpu.memory_space<vmem_shared>>
          tpu.enqueue_dma source(%dma_start3A_125 : memref<160x64xf32, #tpu.memory_space<vmem_shared>>) target(%arg14 : memref<160x64xf32, #tpu.memory_space<vmem>>) target_semaphore(%run_scoped3A : memref<!tpu.dma_semaphore, #tpu.memory_space<semaphore_mem>>)
          %dma_wait3A_126 = arith.constant 0 : i32
          %dma_wait3A_127 = tpu.memref_slice %arg15[%mul3A_119, %dma_wait3A_126] : memref<20008x64xf32, #tpu.memory_space<vmem_shared>> -> memref<160x64xf32, #tpu.memory_space<vmem_shared>>
          %dma_wait3A_128 = arith.constant 0 : i32
          %dma_wait3A_129 = tpu.memref_slice %arg15[%mul3A_119, %dma_wait3A_128] : memref<20008x64xf32, #tpu.memory_space<vmem_shared>> -> memref<160x64xf32, #tpu.memory_space<vmem_shared>>
          tpu.wait_dma2 semaphore(%run_scoped3A : memref<!tpu.dma_semaphore, #tpu.memory_space<semaphore_mem>>) src(%dma_wait3A_129 : memref<160x64xf32, #tpu.memory_space<vmem_shared>>) dst(%arg14 : memref<160x64xf32, #tpu.memory_space<vmem>>)
          tpu.yield
        }) : () -> ()
        %mul3A_120 = arith.constant 160 : i32
        %mul3A_121 = arith.muli %scan3A_101, %mul3A_120 : i32
        "tpu.region"() ({
          %run_scoped3A = tpu.sem_alloc : memref<!tpu.dma_semaphore, #tpu.memory_space<semaphore_mem>>
          %dma_start3A_122 = arith.constant 0 : i32
          %dma_start3A_123 = tpu.memref_slice %arg6[%arg0, %mul3A_121, %dma_start3A_122] : memref<2x20000x64xf32, #tpu.memory_space<hbm>> -> memref<1x160x64xf32, #tpu.memory_space<hbm>>
          %dma_start3A_124 = tpu.memref_squeeze %dma_start3A_123 : memref<1x160x64xf32, #tpu.memory_space<hbm>> -> memref<160x64xf32, #tpu.memory_space<hbm>>
          %dma_start3A_125 = arith.constant 0 : i32
          %dma_start3A_126 = tpu.memref_slice %arg6[%arg0, %mul3A_121, %dma_start3A_125] : memref<2x20000x64xf32, #tpu.memory_space<hbm>> -> memref<1x160x64xf32, #tpu.memory_space<hbm>>
          %dma_start3A_127 = tpu.memref_squeeze %dma_start3A_126 : memref<1x160x64xf32, #tpu.memory_space<hbm>> -> memref<160x64xf32, #tpu.memory_space<hbm>>
          tpu.enqueue_dma source(%arg14 : memref<160x64xf32, #tpu.memory_space<vmem>>) target(%dma_start3A_127 : memref<160x64xf32, #tpu.memory_space<hbm>>) target_semaphore(%run_scoped3A : memref<!tpu.dma_semaphore, #tpu.memory_space<semaphore_mem>>)
          %dma_wait3A_128 = arith.constant 0 : i32
          %dma_wait3A_129 = tpu.memref_slice %arg6[%arg0, %mul3A_121, %dma_wait3A_128] : memref<2x20000x64xf32, #tpu.memory_space<hbm>> -> memref<1x160x64xf32, #tpu.memory_space<hbm>>
          %dma_wait3A_130 = tpu.memref_squeeze %dma_wait3A_129 : memref<1x160x64xf32, #tpu.memory_space<hbm>> -> memref<160x64xf32, #tpu.memory_space<hbm>>
          %dma_wait3A_131 = arith.constant 0 : i32
          %dma_wait3A_132 = tpu.memref_slice %arg6[%arg0, %mul3A_121, %dma_wait3A_131] : memref<2x20000x64xf32, #tpu.memory_space<hbm>> -> memref<1x160x64xf32, #tpu.memory_space<hbm>>
          %dma_wait3A_133 = tpu.memref_squeeze %dma_wait3A_132 : memref<1x160x64xf32, #tpu.memory_space<hbm>> -> memref<160x64xf32, #tpu.memory_space<hbm>>
          tpu.wait_dma2 semaphore(%run_scoped3A : memref<!tpu.dma_semaphore, #tpu.memory_space<semaphore_mem>>) src(%arg14 : memref<160x64xf32, #tpu.memory_space<vmem>>) dst(%dma_wait3A_133 : memref<160x64xf32, #tpu.memory_space<hbm>>)
          tpu.yield
        }) : () -> ()
      } else {
      }
    }
    %scan3A_100 = arith.constant 125 : i32
    return
  }
}

module attributes {stable_mosaic.version = 14 : i64} {
  func.func @a_body(%arg0: i32, %arg1: memref<2000x128xf32, #tpu.memory_space<vmem>>, %arg2: memref<64x128xf32, #tpu.memory_space<vmem>>, %arg3: memref<64x128xf32, #tpu.memory_space<vmem>>, %arg4: memref<1x64xf32, #tpu.memory_space<vmem>>, %arg5: memref<1x64xf32, #tpu.memory_space<vmem>>, %arg6: memref<2x2000x64xf32, #tpu.memory_space<vmem>>) attributes {dimension_semantics = [#tpu.dimension_semantics<arbitrary>], iteration_bounds = array<i64: 5>, scalar_prefetch = 0 : i64, scratch_operands = 0 : i64, tpu.core_type = #tpu.core_type<tc>, window_params = [{transform_indices = @transform_0, window_bounds = array<i64: 2000, 128>}, {pipeline_mode = #tpu.pipeline_mode<synchronous>, transform_indices = @transform_1, window_bounds = array<i64: 64, 128>}, {pipeline_mode = #tpu.pipeline_mode<synchronous>, transform_indices = @transform_2, window_bounds = array<i64: 64, 128>}, {pipeline_mode = #tpu.pipeline_mode<synchronous>, transform_indices = @transform_3, window_bounds = array<i64: 1, 64>}, {pipeline_mode = #tpu.pipeline_mode<synchronous>, transform_indices = @transform_4, window_bounds = array<i64: 1, 64>}, {transform_indices = @transform_5, window_bounds = array<i64: 2, 2000, 64>}]} {
    %get3A = arith.constant 0 : index
    %get3A_0 = arith.constant 0 : index
    %get3A_1 = vector.load %arg1[%get3A, %get3A_0] : memref<2000x128xf32, #tpu.memory_space<vmem>>, vector<2000x128xf32>
    %get3A_2 = arith.constant 0 : index
    %get3A_3 = arith.constant 0 : index
    %get3A_4 = vector.load %arg2[%get3A_2, %get3A_3] : memref<64x128xf32, #tpu.memory_space<vmem>>, vector<64x128xf32>
    %dot_general3A = arith.constant dense<0.000000e+00> : vector<2000x64xf32>
    %dot_general3A_5 = tpu.matmul %get3A_1, %get3A_4, %dot_general3A {dimension_numbers = #tpu.dot_dimension_numbers<[1], [1], [0], [0], [0, 0, 1, 0], [], []>, transpose_lhs_hint = false} : vector<2000x128xf32>, vector<64x128xf32>, vector<2000x64xf32> -> vector<2000x64xf32>
    %get3A_6 = arith.constant 0 : index
    %get3A_7 = arith.constant 0 : index
    %get3A_8 = vector.load %arg4[%get3A_6, %get3A_7] : memref<1x64xf32, #tpu.memory_space<vmem>>, vector<1x64xf32>
    %add3A = vector.broadcast %get3A_8 : vector<1x64xf32> to vector<2000x64xf32>
    %add3A_9 = arith.addf %dot_general3A_5, %add3A : vector<2000x64xf32>
    %swap3A = arith.constant 0 : index
    %swap3A_10 = arith.constant 0 : index
    %swap3A_11 = arith.constant 0 : index
    %swap3A_12 = vector.load %arg6[%swap3A, %swap3A_10, %swap3A_11] : memref<2x2000x64xf32, #tpu.memory_space<vmem>>, vector<1x2000x64xf32>
    %swap3A_13 = vector.shape_cast %swap3A_12 : vector<1x2000x64xf32> to vector<2000x64xf32>
    %swap3A_14 = vector.shape_cast %add3A_9 : vector<2000x64xf32> to vector<1x2000x64xf32>
    tpu.vector_store %arg6[%swap3A, %swap3A_10, %swap3A_11], %swap3A_14 {strides = array<i32>} : memref<2x2000x64xf32, #tpu.memory_space<vmem>>, vector<1x2000x64xf32>,
    %get3A_15 = arith.constant 0 : index
    %get3A_16 = arith.constant 0 : index
    %get3A_17 = vector.load %arg3[%get3A_15, %get3A_16] : memref<64x128xf32, #tpu.memory_space<vmem>>, vector<64x128xf32>
    %dot_general3A_18 = arith.constant dense<0.000000e+00> : vector<2000x64xf32>
    %dot_general3A_19 = tpu.matmul %get3A_1, %get3A_17, %dot_general3A_18 {dimension_numbers = #tpu.dot_dimension_numbers<[1], [1], [0], [0], [0, 0, 1, 0], [], []>, transpose_lhs_hint = false} : vector<2000x128xf32>, vector<64x128xf32>, vector<2000x64xf32> -> vector<2000x64xf32>
    %get3A_20 = arith.constant 0 : index
    %get3A_21 = arith.constant 0 : index
    %get3A_22 = vector.load %arg5[%get3A_20, %get3A_21] : memref<1x64xf32, #tpu.memory_space<vmem>>, vector<1x64xf32>
    %add3A_23 = vector.broadcast %get3A_22 : vector<1x64xf32> to vector<2000x64xf32>
    %add3A_24 = arith.addf %dot_general3A_19, %add3A_23 : vector<2000x64xf32>
    %swap3A_25 = arith.constant 1 : index
    %swap3A_26 = arith.constant 0 : index
    %swap3A_27 = arith.constant 0 : index
    %swap3A_28 = vector.load %arg6[%swap3A_25, %swap3A_26, %swap3A_27] : memref<2x2000x64xf32, #tpu.memory_space<vmem>>, vector<1x2000x64xf32>
    %swap3A_29 = vector.shape_cast %swap3A_28 : vector<1x2000x64xf32> to vector<2000x64xf32>
    %swap3A_30 = vector.shape_cast %add3A_24 : vector<2000x64xf32> to vector<1x2000x64xf32>
    tpu.vector_store %arg6[%swap3A_25, %swap3A_26, %swap3A_27], %swap3A_30 {strides = array<i32>} : memref<2x2000x64xf32, #tpu.memory_space<vmem>>, vector<1x2000x64xf32>,
    return
  }
  func.func @transform_0(%arg0: i32) -> (i32, i32) {
    %c0_i32 = arith.constant 0 : i32
    %c0_i32_0 = arith.constant 0 : i32
    return %arg0, %c0_i32 : i32, i32
  }
  func.func @transform_1(%arg0: i32) -> (i32, i32) {
    %c0_i32 = arith.constant 0 : i32
    %c0_i32_0 = arith.constant 0 : i32
    %c0_i32_1 = arith.constant 0 : i32
    return %c0_i32, %c0_i32_0 : i32, i32
  }
  func.func @transform_2(%arg0: i32) -> (i32, i32) {
    %c0_i32 = arith.constant 0 : i32
    %c0_i32_0 = arith.constant 0 : i32
    %c0_i32_1 = arith.constant 0 : i32
    return %c0_i32, %c0_i32_0 : i32, i32
  }
  func.func @transform_3(%arg0: i32) -> (i32, i32) {
    %c0_i32 = arith.constant 0 : i32
    %c0_i32_0 = arith.constant 0 : i32
    %c0_i32_1 = arith.constant 0 : i32
    return %c0_i32, %c0_i32_0 : i32, i32
  }
  func.func @transform_4(%arg0: i32) -> (i32, i32) {
    %c0_i32 = arith.constant 0 : i32
    %c0_i32_0 = arith.constant 0 : i32
    %c0_i32_1 = arith.constant 0 : i32
    return %c0_i32, %c0_i32_0 : i32, i32
  }
  func.func @transform_5(%arg0: i32) -> (i32, i32, i32) {
    %c0_i32 = arith.constant 0 : i32
    %c0_i32_0 = arith.constant 0 : i32
    %c0_i32_1 = arith.constant 0 : i32
    return %c0_i32, %arg0, %c0_i32_0 : i32, i32, i32
  }
}

module attributes {stable_mosaic.version = 14 : i64} {
  func.func @b_body(%arg0: i32, %arg1: memref<16x3200xf32, #tpu.memory_space<vmem>>, %arg2: memref<16x3200xf32, #tpu.memory_space<vmem>>, %arg3: memref<8x3200xi32, #tpu.memory_space<vmem>>, %arg4: memref<8x3200xi32, #tpu.memory_space<vmem>>, %arg5: memref<8x3200xi32, #tpu.memory_space<vmem>>, %arg6: memref<8x3200xi32, #tpu.memory_space<vmem>>, %arg7: memref<64x32xf32, #tpu.memory_space<vmem>>, %arg8: memref<3200x128xf32, #tpu.memory_space<vmem>>, %arg9: memref<8x3200xi32, #tpu.memory_space<vmem>>, %arg10: memref<8x3200xi32, #tpu.memory_space<vmem>>) attributes {dimension_semantics = [#tpu.dimension_semantics<arbitrary>], iteration_bounds = array<i64: 50>, scalar_prefetch = 0 : i64, scratch_operands = 0 : i64, tpu.core_type = #tpu.core_type<tc>, window_params = [{transform_indices = @transform_0, window_bounds = array<i64: 16, 3200>}, {transform_indices = @transform_1, window_bounds = array<i64: 16, 3200>}, {transform_indices = @transform_2, window_bounds = array<i64: 8, 3200>}, {transform_indices = @transform_3, window_bounds = array<i64: 8, 3200>}, {transform_indices = @transform_4, window_bounds = array<i64: 8, 3200>}, {transform_indices = @transform_5, window_bounds = array<i64: 8, 3200>}, {pipeline_mode = #tpu.pipeline_mode<synchronous>, transform_indices = @transform_6, window_bounds = array<i64: 64, 32>}, {transform_indices = @transform_7, window_bounds = array<i64: 3200, 128>}, {transform_indices = @transform_8, window_bounds = array<i64: 8, 3200>}, {transform_indices = @transform_9, window_bounds = array<i64: 8, 3200>}]} {
    %get3A = arith.constant 0 : index
    %get3A_0 = arith.constant 0 : index
    %get3A_1 = vector.load %arg7[%get3A, %get3A_0] : memref<64x32xf32, #tpu.memory_space<vmem>>, vector<64x32xf32>
    %get3A_2 = arith.constant 0 : index
    %get3A_3 = arith.constant 0 : index
    %get3A_4 = vector.load %arg1[%get3A_2, %get3A_3] : memref<16x3200xf32, #tpu.memory_space<vmem>>, vector<16x3200xf32>
    %jit3A = arith.constant 8 : i32
    %eq3A = arith.constant 0 : i32
    %eq3A_5 = arith.cmpi eq, %jit3A, %eq3A : i32
    %jit3A_6 = arith.constant 1 : i32
    %select_n3A = arith.select %eq3A_5, %jit3A_6, %jit3A : i32
    %rem3A = arith.remsi %arg0, %select_n3A : i32
    %ne3A = arith.constant 0 : i32
    %ne3A_7 = arith.cmpi ne, %rem3A, %ne3A : i32
    %lt3A = arith.constant 0 : i32
    %lt3A_8 = arith.cmpi slt, %rem3A, %lt3A : i32
    %lt3A_9 = arith.constant 0 : i32
    %lt3A_10 = arith.cmpi slt, %select_n3A, %lt3A_9 : i32
    %ne3A_11 = arith.xori %lt3A_8, %lt3A_10 : i1
    %and3A = arith.andi %ne3A_11, %ne3A_7 : i1
    %add3A = arith.addi %rem3A, %select_n3A : i32
    %select_n3A_12 = arith.select %and3A, %add3A, %rem3A : i32
    %get3A_13 = arith.index_cast %select_n3A_12 : i32 to index
    %get3A_14 = arith.constant 0 : index
    %get3A_15 = vector.load %arg3[%get3A_13, %get3A_14] : memref<8x3200xi32, #tpu.memory_space<vmem>>, vector<1x3200xi32>
    %get3A_16 = vector.shape_cast %get3A_15 : vector<1x3200xi32> to vector<3200xi32>
    %jit3A_17 = arith.constant 8 : i32
    %eq3A_18 = arith.constant 0 : i32
    %eq3A_19 = arith.cmpi eq, %jit3A_17, %eq3A_18 : i32
    %jit3A_20 = arith.constant 1 : i32
    %select_n3A_21 = arith.select %eq3A_19, %jit3A_20, %jit3A_17 : i32
    %rem3A_22 = arith.remsi %arg0, %select_n3A_21 : i32
    %ne3A_23 = arith.constant 0 : i32
    %ne3A_24 = arith.cmpi ne, %rem3A_22, %ne3A_23 : i32
    %lt3A_25 = arith.constant 0 : i32
    %lt3A_26 = arith.cmpi slt, %rem3A_22, %lt3A_25 : i32
    %lt3A_27 = arith.constant 0 : i32
    %lt3A_28 = arith.cmpi slt, %select_n3A_21, %lt3A_27 : i32
    %ne3A_29 = arith.xori %lt3A_26, %lt3A_28 : i1
    %and3A_30 = arith.andi %ne3A_29, %ne3A_24 : i1
    %add3A_31 = arith.addi %rem3A_22, %select_n3A_21 : i32
    %select_n3A_32 = arith.select %and3A_30, %add3A_31, %rem3A_22 : i32
    %get3A_33 = arith.index_cast %select_n3A_32 : i32 to index
    %get3A_34 = arith.constant 0 : index
    %get3A_35 = vector.load %arg4[%get3A_33, %get3A_34] : memref<8x3200xi32, #tpu.memory_space<vmem>>, vector<1x3200xi32>
    %get3A_36 = vector.shape_cast %get3A_35 : vector<1x3200xi32> to vector<3200xi32>
    %lt3A_37 = arith.cmpi slt, %get3A_16, %get3A_36 : vector<3200xi32>
    %convert_element_type3A = arith.extui %lt3A_37 : vector<3200xi1> to vector<3200xi32>
    %convert_element_type3A_38 = arith.sitofp %convert_element_type3A : vector<3200xi32> to vector<3200xf32>
    %reshape3A = vector.shape_cast %convert_element_type3A_38 : vector<3200xf32> to vector<1x3200xf32>
    %gt3A = arith.cmpi sgt, %get3A_16, %get3A_36 : vector<3200xi32>
    %convert_element_type3A_39 = arith.extui %gt3A : vector<3200xi1> to vector<3200xi32>
    %convert_element_type3A_40 = arith.sitofp %convert_element_type3A_39 : vector<3200xi32> to vector<3200xf32>
    %reshape3A_41 = vector.shape_cast %convert_element_type3A_40 : vector<3200xf32> to vector<1x3200xf32>
    %mul3A = vector.broadcast %reshape3A : vector<1x3200xf32> to vector<16x3200xf32>
    %mul3A_42 = arith.mulf %get3A_4, %mul3A : vector<16x3200xf32>
    %mul3A_43 = vector.broadcast %reshape3A_41 : vector<1x3200xf32> to vector<16x3200xf32>
    %mul3A_44 = arith.mulf %get3A_4, %mul3A_43 : vector<16x3200xf32>
    %concatenate3A = tpu.concatenate %mul3A_42, %mul3A_44 in 0 : vector<16x3200xf32>, vector<16x3200xf32> -> vector<32x3200xf32>
    %eq3A_45 = arith.cmpi eq, %get3A_16, %get3A_36 : vector<3200xi32>
    %convert_element_type3A_46 = arith.extui %lt3A_37 : vector<3200xi1> to vector<3200xi32>
    %mul3A_47 = arith.constant 10000 : i32
    %mul3A_48 = vector.broadcast %mul3A_47 : i32 to vector<3200xi32>
    %mul3A_49 = arith.muli %convert_element_type3A_46, %mul3A_48 : vector<3200xi32>
    %add3A_50 = arith.addi %get3A_16, %mul3A_49 : vector<3200xi32>
    %jit3A_51 = arith.constant 20000 : i32
    %broadcast_in_dim3A = vector.broadcast %jit3A_51 : i32 to vector<3200xi32>
    %select_n3A_52 = arith.select %eq3A_45, %broadcast_in_dim3A, %add3A_50 : vector<3200xi1>, vector<3200xi32>
    %get3A_53 = arith.constant 0 : index
    %get3A_54 = arith.constant 0 : index
    %get3A_55 = vector.load %arg2[%get3A_53, %get3A_54] : memref<16x3200xf32, #tpu.memory_space<vmem>>, vector<16x3200xf32>
    %jit3A_56 = arith.constant 8 : i32
    %eq3A_57 = arith.constant 0 : i32
    %eq3A_58 = arith.cmpi eq, %jit3A_56, %eq3A_57 : i32
    %jit3A_59 = arith.constant 1 : i32
    %select_n3A_60 = arith.select %eq3A_58, %jit3A_59, %jit3A_56 : i32
    %rem3A_61 = arith.remsi %arg0, %select_n3A_60 : i32
    %ne3A_62 = arith.constant 0 : i32
    %ne3A_63 = arith.cmpi ne, %rem3A_61, %ne3A_62 : i32
    %lt3A_64 = arith.constant 0 : i32
    %lt3A_65 = arith.cmpi slt, %rem3A_61, %lt3A_64 : i32
    %lt3A_66 = arith.constant 0 : i32
    %lt3A_67 = arith.cmpi slt, %select_n3A_60, %lt3A_66 : i32
    %ne3A_68 = arith.xori %lt3A_65, %lt3A_67 : i1
    %and3A_69 = arith.andi %ne3A_68, %ne3A_63 : i1
    %add3A_70 = arith.addi %rem3A_61, %select_n3A_60 : i32
    %select_n3A_71 = arith.select %and3A_69, %add3A_70, %rem3A_61 : i32
    %get3A_72 = arith.index_cast %select_n3A_71 : i32 to index
    %get3A_73 = arith.constant 0 : index
    %get3A_74 = vector.load %arg5[%get3A_72, %get3A_73] : memref<8x3200xi32, #tpu.memory_space<vmem>>, vector<1x3200xi32>
    %get3A_75 = vector.shape_cast %get3A_74 : vector<1x3200xi32> to vector<3200xi32>
    %jit3A_76 = arith.constant 8 : i32
    %eq3A_77 = arith.constant 0 : i32
    %eq3A_78 = arith.cmpi eq, %jit3A_76, %eq3A_77 : i32
    %jit3A_79 = arith.constant 1 : i32
    %select_n3A_80 = arith.select %eq3A_78, %jit3A_79, %jit3A_76 : i32
    %rem3A_81 = arith.remsi %arg0, %select_n3A_80 : i32
    %ne3A_82 = arith.constant 0 : i32
    %ne3A_83 = arith.cmpi ne, %rem3A_81, %ne3A_82 : i32
    %lt3A_84 = arith.constant 0 : i32
    %lt3A_85 = arith.cmpi slt, %rem3A_81, %lt3A_84 : i32
    %lt3A_86 = arith.constant 0 : i32
    %lt3A_87 = arith.cmpi slt, %select_n3A_80, %lt3A_86 : i32
    %ne3A_88 = arith.xori %lt3A_85, %lt3A_87 : i1
    %and3A_89 = arith.andi %ne3A_88, %ne3A_83 : i1
    %add3A_90 = arith.addi %rem3A_81, %select_n3A_80 : i32
    %select_n3A_91 = arith.select %and3A_89, %add3A_90, %rem3A_81 : i32
    %get3A_92 = arith.index_cast %select_n3A_91 : i32 to index
    %get3A_93 = arith.constant 0 : index
    %get3A_94 = vector.load %arg6[%get3A_92, %get3A_93] : memref<8x3200xi32, #tpu.memory_space<vmem>>, vector<1x3200xi32>
    %get3A_95 = vector.shape_cast %get3A_94 : vector<1x3200xi32> to vector<3200xi32>
    %lt3A_96 = arith.cmpi slt, %get3A_75, %get3A_95 : vector<3200xi32>
    %convert_element_type3A_97 = arith.extui %lt3A_96 : vector<3200xi1> to vector<3200xi32>
    %convert_element_type3A_98 = arith.sitofp %convert_element_type3A_97 : vector<3200xi32> to vector<3200xf32>
    %reshape3A_99 = vector.shape_cast %convert_element_type3A_98 : vector<3200xf32> to vector<1x3200xf32>
    %gt3A_100 = arith.cmpi sgt, %get3A_75, %get3A_95 : vector<3200xi32>
    %convert_element_type3A_101 = arith.extui %gt3A_100 : vector<3200xi1> to vector<3200xi32>
    %convert_element_type3A_102 = arith.sitofp %convert_element_type3A_101 : vector<3200xi32> to vector<3200xf32>
    %reshape3A_103 = vector.shape_cast %convert_element_type3A_102 : vector<3200xf32> to vector<1x3200xf32>
    %mul3A_104 = vector.broadcast %reshape3A_99 : vector<1x3200xf32> to vector<16x3200xf32>
    %mul3A_105 = arith.mulf %get3A_55, %mul3A_104 : vector<16x3200xf32>
    %mul3A_106 = vector.broadcast %reshape3A_103 : vector<1x3200xf32> to vector<16x3200xf32>
    %mul3A_107 = arith.mulf %get3A_55, %mul3A_106 : vector<16x3200xf32>
    %concatenate3A_108 = tpu.concatenate %mul3A_105, %mul3A_107 in 0 : vector<16x3200xf32>, vector<16x3200xf32> -> vector<32x3200xf32>
    %eq3A_109 = arith.cmpi eq, %get3A_75, %get3A_95 : vector<3200xi32>
    %convert_element_type3A_110 = arith.extui %lt3A_96 : vector<3200xi1> to vector<3200xi32>
    %mul3A_111 = arith.constant 10000 : i32
    %mul3A_112 = vector.broadcast %mul3A_111 : i32 to vector<3200xi32>
    %mul3A_113 = arith.muli %convert_element_type3A_110, %mul3A_112 : vector<3200xi32>
    %add3A_114 = arith.addi %get3A_75, %mul3A_113 : vector<3200xi32>
    %jit3A_115 = arith.constant 20000 : i32
    %broadcast_in_dim3A_116 = vector.broadcast %jit3A_115 : i32 to vector<3200xi32>
    %select_n3A_117 = arith.select %eq3A_109, %broadcast_in_dim3A_116, %add3A_114 : vector<3200xi1>, vector<3200xi32>
    %dot_general3A = arith.constant dense<0.000000e+00> : vector<3200x64xf32>
    %dot_general3A_118 = tpu.matmul %concatenate3A, %get3A_1, %dot_general3A {dimension_numbers = #tpu.dot_dimension_numbers<[0], [1], [1], [0], [0, 1, 1, 0], [], []>, transpose_lhs_hint = false} : vector<32x3200xf32>, vector<64x32xf32>, vector<3200x64xf32> -> vector<3200x64xf32>
    %dot_general3A_119 = arith.constant dense<0.000000e+00> : vector<3200x64xf32>
    %dot_general3A_120 = tpu.matmul %concatenate3A_108, %get3A_1, %dot_general3A_119 {dimension_numbers = #tpu.dot_dimension_numbers<[0], [1], [1], [0], [0, 1, 1, 0], [], []>, transpose_lhs_hint = false} : vector<32x3200xf32>, vector<64x32xf32>, vector<3200x64xf32> -> vector<3200x64xf32>
    %concatenate3A_121 = tpu.concatenate %dot_general3A_118, %dot_general3A_120 in 1 : vector<3200x64xf32>, vector<3200x64xf32> -> vector<3200x128xf32>
    %swap3A = arith.constant 0 : index
    %swap3A_122 = arith.constant 0 : index
    %swap3A_123 = vector.load %arg8[%swap3A, %swap3A_122] : memref<3200x128xf32, #tpu.memory_space<vmem>>, vector<3200x128xf32>
    tpu.vector_store %arg8[%swap3A, %swap3A_122], %concatenate3A_121 {strides = array<i32>} : memref<3200x128xf32, #tpu.memory_space<vmem>>, vector<3200x128xf32>,
    %jit3A_124 = arith.constant 8 : i32
    %eq3A_125 = arith.constant 0 : i32
    %eq3A_126 = arith.cmpi eq, %jit3A_124, %eq3A_125 : i32
    %jit3A_127 = arith.constant 1 : i32
    %select_n3A_128 = arith.select %eq3A_126, %jit3A_127, %jit3A_124 : i32
    %rem3A_129 = arith.remsi %arg0, %select_n3A_128 : i32
    %ne3A_130 = arith.constant 0 : i32
    %ne3A_131 = arith.cmpi ne, %rem3A_129, %ne3A_130 : i32
    %lt3A_132 = arith.constant 0 : i32
    %lt3A_133 = arith.cmpi slt, %rem3A_129, %lt3A_132 : i32
    %lt3A_134 = arith.constant 0 : i32
    %lt3A_135 = arith.cmpi slt, %select_n3A_128, %lt3A_134 : i32
    %ne3A_136 = arith.xori %lt3A_133, %lt3A_135 : i1
    %and3A_137 = arith.andi %ne3A_136, %ne3A_131 : i1
    %add3A_138 = arith.addi %rem3A_129, %select_n3A_128 : i32
    %select_n3A_139 = arith.select %and3A_137, %add3A_138, %rem3A_129 : i32
    %swap3A_140 = arith.index_cast %select_n3A_139 : i32 to index
    %swap3A_141 = arith.constant 0 : index
    %swap3A_142 = vector.load %arg9[%swap3A_140, %swap3A_141] : memref<8x3200xi32, #tpu.memory_space<vmem>>, vector<1x3200xi32>
    %swap3A_143 = vector.shape_cast %swap3A_142 : vector<1x3200xi32> to vector<3200xi32>
    %swap3A_144 = vector.shape_cast %select_n3A_52 : vector<3200xi32> to vector<1x3200xi32>
    tpu.vector_store %arg9[%swap3A_140, %swap3A_141], %swap3A_144 {strides = array<i32>} : memref<8x3200xi32, #tpu.memory_space<vmem>>, vector<1x3200xi32>,
    %jit3A_145 = arith.constant 8 : i32
    %eq3A_146 = arith.constant 0 : i32
    %eq3A_147 = arith.cmpi eq, %jit3A_145, %eq3A_146 : i32
    %jit3A_148 = arith.constant 1 : i32
    %select_n3A_149 = arith.select %eq3A_147, %jit3A_148, %jit3A_145 : i32
    %rem3A_150 = arith.remsi %arg0, %select_n3A_149 : i32
    %ne3A_151 = arith.constant 0 : i32
    %ne3A_152 = arith.cmpi ne, %rem3A_150, %ne3A_151 : i32
    %lt3A_153 = arith.constant 0 : i32
    %lt3A_154 = arith.cmpi slt, %rem3A_150, %lt3A_153 : i32
    %lt3A_155 = arith.constant 0 : i32
    %lt3A_156 = arith.cmpi slt, %select_n3A_149, %lt3A_155 : i32
    %ne3A_157 = arith.xori %lt3A_154, %lt3A_156 : i1
    %and3A_158 = arith.andi %ne3A_157, %ne3A_152 : i1
    %add3A_159 = arith.addi %rem3A_150, %select_n3A_149 : i32
    %select_n3A_160 = arith.select %and3A_158, %add3A_159, %rem3A_150 : i32
    %swap3A_161 = arith.index_cast %select_n3A_160 : i32 to index
    %swap3A_162 = arith.constant 0 : index
    %swap3A_163 = vector.load %arg10[%swap3A_161, %swap3A_162] : memref<8x3200xi32, #tpu.memory_space<vmem>>, vector<1x3200xi32>
    %swap3A_164 = vector.shape_cast %swap3A_163 : vector<1x3200xi32> to vector<3200xi32>
    %swap3A_165 = vector.shape_cast %select_n3A_117 : vector<3200xi32> to vector<1x3200xi32>
    tpu.vector_store %arg10[%swap3A_161, %swap3A_162], %swap3A_165 {strides = array<i32>} : memref<8x3200xi32, #tpu.memory_space<vmem>>, vector<1x3200xi32>,
    return
  }
  func.func @transform_0(%arg0: i32) -> (i32, i32) {
    %c0_i32 = arith.constant 0 : i32
    %c0_i32_0 = arith.constant 0 : i32
    return %c0_i32, %arg0 : i32, i32
  }
  func.func @transform_1(%arg0: i32) -> (i32, i32) {
    %add3A = arith.constant 50 : i32
    %add3A_0 = arith.addi %arg0, %add3A : i32
    %c0_i32 = arith.constant 0 : i32
    %c0_i32_1 = arith.constant 0 : i32
    return %c0_i32, %add3A_0 : i32, i32
  }
  func.func @transform_2(%arg0: i32) -> (i32, i32) {
    %jit3A = arith.constant 8 : i32
    %div3A = arith.divsi %arg0, %jit3A : i32
    %sign3A = arith.constant 0 : i32
    %sign3A_0 = arith.cmpi sgt, %arg0, %sign3A : i32
    %sign3A_1 = arith.extui %sign3A_0 : i1 to i32
    %sign3A_2 = arith.constant 0 : i32
    %sign3A_3 = arith.cmpi slt, %arg0, %sign3A_2 : i32
    %sign3A_4 = arith.extui %sign3A_3 : i1 to i32
    %sign3A_5 = arith.subi %sign3A_1, %sign3A_4 : i32
    %sign3A_6 = arith.constant 0 : i32
    %sign3A_7 = arith.cmpi sgt, %jit3A, %sign3A_6 : i32
    %sign3A_8 = arith.extui %sign3A_7 : i1 to i32
    %sign3A_9 = arith.constant 0 : i32
    %sign3A_10 = arith.cmpi slt, %jit3A, %sign3A_9 : i32
    %sign3A_11 = arith.extui %sign3A_10 : i1 to i32
    %sign3A_12 = arith.subi %sign3A_8, %sign3A_11 : i32
    %ne3A = arith.cmpi ne, %sign3A_5, %sign3A_12 : i32
    %rem3A = arith.remsi %arg0, %jit3A : i32
    %ne3A_13 = arith.constant 0 : i32
    %ne3A_14 = arith.cmpi ne, %rem3A, %ne3A_13 : i32
    %and3A = arith.andi %ne3A, %ne3A_14 : i1
    %sub3A = arith.constant 1 : i32
    %sub3A_15 = arith.subi %div3A, %sub3A : i32
    %select_n3A = arith.select %and3A, %sub3A_15, %div3A : i32
    %c0_i32 = arith.constant 0 : i32
    %c0_i32_16 = arith.constant 0 : i32
    return %select_n3A, %c0_i32 : i32, i32
  }
  func.func @transform_3(%arg0: i32) -> (i32, i32) {
    %jit3A = arith.constant 8 : i32
    %div3A = arith.divsi %arg0, %jit3A : i32
    %sign3A = arith.constant 0 : i32
    %sign3A_0 = arith.cmpi sgt, %arg0, %sign3A : i32
    %sign3A_1 = arith.extui %sign3A_0 : i1 to i32
    %sign3A_2 = arith.constant 0 : i32
    %sign3A_3 = arith.cmpi slt, %arg0, %sign3A_2 : i32
    %sign3A_4 = arith.extui %sign3A_3 : i1 to i32
    %sign3A_5 = arith.subi %sign3A_1, %sign3A_4 : i32
    %sign3A_6 = arith.constant 0 : i32
    %sign3A_7 = arith.cmpi sgt, %jit3A, %sign3A_6 : i32
    %sign3A_8 = arith.extui %sign3A_7 : i1 to i32
    %sign3A_9 = arith.constant 0 : i32
    %sign3A_10 = arith.cmpi slt, %jit3A, %sign3A_9 : i32
    %sign3A_11 = arith.extui %sign3A_10 : i1 to i32
    %sign3A_12 = arith.subi %sign3A_8, %sign3A_11 : i32
    %ne3A = arith.cmpi ne, %sign3A_5, %sign3A_12 : i32
    %rem3A = arith.remsi %arg0, %jit3A : i32
    %ne3A_13 = arith.constant 0 : i32
    %ne3A_14 = arith.cmpi ne, %rem3A, %ne3A_13 : i32
    %and3A = arith.andi %ne3A, %ne3A_14 : i1
    %sub3A = arith.constant 1 : i32
    %sub3A_15 = arith.subi %div3A, %sub3A : i32
    %select_n3A = arith.select %and3A, %sub3A_15, %div3A : i32
    %c0_i32 = arith.constant 0 : i32
    %c0_i32_16 = arith.constant 0 : i32
    return %select_n3A, %c0_i32 : i32, i32
  }
  func.func @transform_4(%arg0: i32) -> (i32, i32) {
    %jit3A = arith.constant 8 : i32
    %div3A = arith.divsi %arg0, %jit3A : i32
    %sign3A = arith.constant 0 : i32
    %sign3A_0 = arith.cmpi sgt, %arg0, %sign3A : i32
    %sign3A_1 = arith.extui %sign3A_0 : i1 to i32
    %sign3A_2 = arith.constant 0 : i32
    %sign3A_3 = arith.cmpi slt, %arg0, %sign3A_2 : i32
    %sign3A_4 = arith.extui %sign3A_3 : i1 to i32
    %sign3A_5 = arith.subi %sign3A_1, %sign3A_4 : i32
    %sign3A_6 = arith.constant 0 : i32
    %sign3A_7 = arith.cmpi sgt, %jit3A, %sign3A_6 : i32
    %sign3A_8 = arith.extui %sign3A_7 : i1 to i32
    %sign3A_9 = arith.constant 0 : i32
    %sign3A_10 = arith.cmpi slt, %jit3A, %sign3A_9 : i32
    %sign3A_11 = arith.extui %sign3A_10 : i1 to i32
    %sign3A_12 = arith.subi %sign3A_8, %sign3A_11 : i32
    %ne3A = arith.cmpi ne, %sign3A_5, %sign3A_12 : i32
    %rem3A = arith.remsi %arg0, %jit3A : i32
    %ne3A_13 = arith.constant 0 : i32
    %ne3A_14 = arith.cmpi ne, %rem3A, %ne3A_13 : i32
    %and3A = arith.andi %ne3A, %ne3A_14 : i1
    %sub3A = arith.constant 1 : i32
    %sub3A_15 = arith.subi %div3A, %sub3A : i32
    %select_n3A = arith.select %and3A, %sub3A_15, %div3A : i32
    %c0_i32 = arith.constant 0 : i32
    %c0_i32_16 = arith.constant 0 : i32
    return %select_n3A, %c0_i32 : i32, i32
  }
  func.func @transform_5(%arg0: i32) -> (i32, i32) {
    %jit3A = arith.constant 8 : i32
    %div3A = arith.divsi %arg0, %jit3A : i32
    %sign3A = arith.constant 0 : i32
    %sign3A_0 = arith.cmpi sgt, %arg0, %sign3A : i32
    %sign3A_1 = arith.extui %sign3A_0 : i1 to i32
    %sign3A_2 = arith.constant 0 : i32
    %sign3A_3 = arith.cmpi slt, %arg0, %sign3A_2 : i32
    %sign3A_4 = arith.extui %sign3A_3 : i1 to i32
    %sign3A_5 = arith.subi %sign3A_1, %sign3A_4 : i32
    %sign3A_6 = arith.constant 0 : i32
    %sign3A_7 = arith.cmpi sgt, %jit3A, %sign3A_6 : i32
    %sign3A_8 = arith.extui %sign3A_7 : i1 to i32
    %sign3A_9 = arith.constant 0 : i32
    %sign3A_10 = arith.cmpi slt, %jit3A, %sign3A_9 : i32
    %sign3A_11 = arith.extui %sign3A_10 : i1 to i32
    %sign3A_12 = arith.subi %sign3A_8, %sign3A_11 : i32
    %ne3A = arith.cmpi ne, %sign3A_5, %sign3A_12 : i32
    %rem3A = arith.remsi %arg0, %jit3A : i32
    %ne3A_13 = arith.constant 0 : i32
    %ne3A_14 = arith.cmpi ne, %rem3A, %ne3A_13 : i32
    %and3A = arith.andi %ne3A, %ne3A_14 : i1
    %sub3A = arith.constant 1 : i32
    %sub3A_15 = arith.subi %div3A, %sub3A : i32
    %select_n3A = arith.select %and3A, %sub3A_15, %div3A : i32
    %c0_i32 = arith.constant 0 : i32
    %c0_i32_16 = arith.constant 0 : i32
    return %select_n3A, %c0_i32 : i32, i32
  }
  func.func @transform_6(%arg0: i32) -> (i32, i32) {
    %c0_i32 = arith.constant 0 : i32
    %c0_i32_0 = arith.constant 0 : i32
    %c0_i32_1 = arith.constant 0 : i32
    return %c0_i32, %c0_i32_0 : i32, i32
  }
  func.func @transform_7(%arg0: i32) -> (i32, i32) {
    %c0_i32 = arith.constant 0 : i32
    %c0_i32_0 = arith.constant 0 : i32
    return %arg0, %c0_i32 : i32, i32
  }
  func.func @transform_8(%arg0: i32) -> (i32, i32) {
    %jit3A = arith.constant 8 : i32
    %div3A = arith.divsi %arg0, %jit3A : i32
    %sign3A = arith.constant 0 : i32
    %sign3A_0 = arith.cmpi sgt, %arg0, %sign3A : i32
    %sign3A_1 = arith.extui %sign3A_0 : i1 to i32
    %sign3A_2 = arith.constant 0 : i32
    %sign3A_3 = arith.cmpi slt, %arg0, %sign3A_2 : i32
    %sign3A_4 = arith.extui %sign3A_3 : i1 to i32
    %sign3A_5 = arith.subi %sign3A_1, %sign3A_4 : i32
    %sign3A_6 = arith.constant 0 : i32
    %sign3A_7 = arith.cmpi sgt, %jit3A, %sign3A_6 : i32
    %sign3A_8 = arith.extui %sign3A_7 : i1 to i32
    %sign3A_9 = arith.constant 0 : i32
    %sign3A_10 = arith.cmpi slt, %jit3A, %sign3A_9 : i32
    %sign3A_11 = arith.extui %sign3A_10 : i1 to i32
    %sign3A_12 = arith.subi %sign3A_8, %sign3A_11 : i32
    %ne3A = arith.cmpi ne, %sign3A_5, %sign3A_12 : i32
    %rem3A = arith.remsi %arg0, %jit3A : i32
    %ne3A_13 = arith.constant 0 : i32
    %ne3A_14 = arith.cmpi ne, %rem3A, %ne3A_13 : i32
    %and3A = arith.andi %ne3A, %ne3A_14 : i1
    %sub3A = arith.constant 1 : i32
    %sub3A_15 = arith.subi %div3A, %sub3A : i32
    %select_n3A = arith.select %and3A, %sub3A_15, %div3A : i32
    %c0_i32 = arith.constant 0 : i32
    %c0_i32_16 = arith.constant 0 : i32
    return %select_n3A, %c0_i32 : i32, i32
  }
  func.func @transform_9(%arg0: i32) -> (i32, i32) {
    %jit3A = arith.constant 8 : i32
    %div3A = arith.divsi %arg0, %jit3A : i32
    %sign3A = arith.constant 0 : i32
    %sign3A_0 = arith.cmpi sgt, %arg0, %sign3A : i32
    %sign3A_1 = arith.extui %sign3A_0 : i1 to i32
    %sign3A_2 = arith.constant 0 : i32
    %sign3A_3 = arith.cmpi slt, %arg0, %sign3A_2 : i32
    %sign3A_4 = arith.extui %sign3A_3 : i1 to i32
    %sign3A_5 = arith.subi %sign3A_1, %sign3A_4 : i32
    %sign3A_6 = arith.constant 0 : i32
    %sign3A_7 = arith.cmpi sgt, %jit3A, %sign3A_6 : i32
    %sign3A_8 = arith.extui %sign3A_7 : i1 to i32
    %sign3A_9 = arith.constant 0 : i32
    %sign3A_10 = arith.cmpi slt, %jit3A, %sign3A_9 : i32
    %sign3A_11 = arith.extui %sign3A_10 : i1 to i32
    %sign3A_12 = arith.subi %sign3A_8, %sign3A_11 : i32
    %ne3A = arith.cmpi ne, %sign3A_5, %sign3A_12 : i32
    %rem3A = arith.remsi %arg0, %jit3A : i32
    %ne3A_13 = arith.constant 0 : i32
    %ne3A_14 = arith.cmpi ne, %rem3A, %ne3A_13 : i32
    %and3A = arith.andi %ne3A, %ne3A_14 : i1
    %sub3A = arith.constant 1 : i32
    %sub3A_15 = arith.subi %div3A, %sub3A : i32
    %select_n3A = arith.select %and3A, %sub3A_15, %div3A : i32
    %c0_i32 = arith.constant 0 : i32
    %c0_i32_16 = arith.constant 0 : i32
    return %select_n3A, %c0_i32 : i32, i32
  }
}

module attributes {stable_mosaic.version = 14 : i64} {
  func.func @c_body(%arg0: i32, %arg1: memref<2x2000x64xf32, #tpu.memory_space<vmem>>, %arg2: memref<2x2000x64xf32, #tpu.memory_space<vmem>>, %arg3: memref<128x64xf32, #tpu.memory_space<vmem>>, %arg4: memref<128x64xf32, #tpu.memory_space<vmem>>, %arg5: memref<1x128xf32, #tpu.memory_space<vmem>>, %arg6: memref<2000x128xf32, #tpu.memory_space<vmem>>) attributes {dimension_semantics = [#tpu.dimension_semantics<arbitrary>], iteration_bounds = array<i64: 5>, scalar_prefetch = 0 : i64, scratch_operands = 0 : i64, tpu.core_type = #tpu.core_type<tc>, window_params = [{transform_indices = @transform_0, window_bounds = array<i64: 2, 2000, 64>}, {transform_indices = @transform_1, window_bounds = array<i64: 2, 2000, 64>}, {pipeline_mode = #tpu.pipeline_mode<synchronous>, transform_indices = @transform_2, window_bounds = array<i64: 128, 64>}, {pipeline_mode = #tpu.pipeline_mode<synchronous>, transform_indices = @transform_3, window_bounds = array<i64: 128, 64>}, {pipeline_mode = #tpu.pipeline_mode<synchronous>, transform_indices = @transform_4, window_bounds = array<i64: 1, 128>}, {transform_indices = @transform_5, window_bounds = array<i64: 2000, 128>}]} {
    %get3A = arith.constant 0 : index
    %get3A_0 = arith.constant 0 : index
    %get3A_1 = arith.constant 0 : index
    %get3A_2 = vector.load %arg1[%get3A, %get3A_0, %get3A_1] : memref<2x2000x64xf32, #tpu.memory_space<vmem>>, vector<1x2000x64xf32>
    %get3A_3 = vector.shape_cast %get3A_2 : vector<1x2000x64xf32> to vector<2000x64xf32>
    %get3A_4 = arith.constant 1 : index
    %get3A_5 = arith.constant 0 : index
    %get3A_6 = arith.constant 0 : index
    %get3A_7 = vector.load %arg1[%get3A_4, %get3A_5, %get3A_6] : memref<2x2000x64xf32, #tpu.memory_space<vmem>>, vector<1x2000x64xf32>
    %get3A_8 = vector.shape_cast %get3A_7 : vector<1x2000x64xf32> to vector<2000x64xf32>
    %add3A = arith.addf %get3A_3, %get3A_8 : vector<2000x64xf32>
    %get3A_9 = arith.constant 0 : index
    %get3A_10 = arith.constant 0 : index
    %get3A_11 = arith.constant 0 : index
    %get3A_12 = vector.load %arg2[%get3A_9, %get3A_10, %get3A_11] : memref<2x2000x64xf32, #tpu.memory_space<vmem>>, vector<1x2000x64xf32>
    %get3A_13 = vector.shape_cast %get3A_12 : vector<1x2000x64xf32> to vector<2000x64xf32>
    %get3A_14 = arith.constant 1 : index
    %get3A_15 = arith.constant 0 : index
    %get3A_16 = arith.constant 0 : index
    %get3A_17 = vector.load %arg2[%get3A_14, %get3A_15, %get3A_16] : memref<2x2000x64xf32, #tpu.memory_space<vmem>>, vector<1x2000x64xf32>
    %get3A_18 = vector.shape_cast %get3A_17 : vector<1x2000x64xf32> to vector<2000x64xf32>
    %add3A_19 = arith.addf %get3A_13, %get3A_18 : vector<2000x64xf32>
    %get3A_20 = arith.constant 0 : index
    %get3A_21 = arith.constant 0 : index
    %get3A_22 = vector.load %arg3[%get3A_20, %get3A_21] : memref<128x64xf32, #tpu.memory_space<vmem>>, vector<128x64xf32>
    %dot_general3A = arith.constant dense<0.000000e+00> : vector<2000x128xf32>
    %dot_general3A_23 = tpu.matmul %add3A, %get3A_22, %dot_general3A {dimension_numbers = #tpu.dot_dimension_numbers<[1], [1], [0], [0], [0, 0, 1, 0], [], []>, transpose_lhs_hint = false} : vector<2000x64xf32>, vector<128x64xf32>, vector<2000x128xf32> -> vector<2000x128xf32>
    %get3A_24 = arith.constant 0 : index
    %get3A_25 = arith.constant 0 : index
    %get3A_26 = vector.load %arg4[%get3A_24, %get3A_25] : memref<128x64xf32, #tpu.memory_space<vmem>>, vector<128x64xf32>
    %dot_general3A_27 = arith.constant dense<0.000000e+00> : vector<2000x128xf32>
    %dot_general3A_28 = tpu.matmul %add3A_19, %get3A_26, %dot_general3A_27 {dimension_numbers = #tpu.dot_dimension_numbers<[1], [1], [0], [0], [0, 0, 1, 0], [], []>, transpose_lhs_hint = false} : vector<2000x64xf32>, vector<128x64xf32>, vector<2000x128xf32> -> vector<2000x128xf32>
    %add3A_29 = arith.addf %dot_general3A_23, %dot_general3A_28 : vector<2000x128xf32>
    %get3A_30 = arith.constant 0 : index
    %get3A_31 = arith.constant 0 : index
    %get3A_32 = vector.load %arg5[%get3A_30, %get3A_31] : memref<1x128xf32, #tpu.memory_space<vmem>>, vector<1x128xf32>
    %add3A_33 = vector.broadcast %get3A_32 : vector<1x128xf32> to vector<2000x128xf32>
    %add3A_34 = arith.addf %add3A_29, %add3A_33 : vector<2000x128xf32>
    %max3A = arith.constant 0.000000e+00 : f32
    %max3A_35 = vector.broadcast %max3A : f32 to vector<2000x128xf32>
    %max3A_36 = arith.maximumf %add3A_34, %max3A_35 : vector<2000x128xf32>
    %swap3A = arith.constant 0 : index
    %swap3A_37 = arith.constant 0 : index
    %swap3A_38 = vector.load %arg6[%swap3A, %swap3A_37] : memref<2000x128xf32, #tpu.memory_space<vmem>>, vector<2000x128xf32>
    tpu.vector_store %arg6[%swap3A, %swap3A_37], %max3A_36 {strides = array<i32>} : memref<2000x128xf32, #tpu.memory_space<vmem>>, vector<2000x128xf32>,
    return
  }
  func.func @transform_0(%arg0: i32) -> (i32, i32, i32) {
    %c0_i32 = arith.constant 0 : i32
    %c0_i32_0 = arith.constant 0 : i32
    %c0_i32_1 = arith.constant 0 : i32
    return %c0_i32, %arg0, %c0_i32_0 : i32, i32, i32
  }
  func.func @transform_1(%arg0: i32) -> (i32, i32, i32) {
    %add3A = arith.constant 5 : i32
    %add3A_0 = arith.addi %arg0, %add3A : i32
    %c0_i32 = arith.constant 0 : i32
    %c0_i32_1 = arith.constant 0 : i32
    %c0_i32_2 = arith.constant 0 : i32
    return %c0_i32, %add3A_0, %c0_i32_1 : i32, i32, i32
  }
  func.func @transform_2(%arg0: i32) -> (i32, i32) {
    %c0_i32 = arith.constant 0 : i32
    %c0_i32_0 = arith.constant 0 : i32
    %c0_i32_1 = arith.constant 0 : i32
    return %c0_i32, %c0_i32_0 : i32, i32
  }
  func.func @transform_3(%arg0: i32) -> (i32, i32) {
    %c0_i32 = arith.constant 0 : i32
    %c0_i32_0 = arith.constant 0 : i32
    %c0_i32_1 = arith.constant 0 : i32
    return %c0_i32, %c0_i32_0 : i32, i32
  }
  func.func @transform_4(%arg0: i32) -> (i32, i32) {
    %c0_i32 = arith.constant 0 : i32
    %c0_i32_0 = arith.constant 0 : i32
    %c0_i32_1 = arith.constant 0 : i32
    return %c0_i32, %c0_i32_0 : i32, i32
  }
  func.func @transform_5(%arg0: i32) -> (i32, i32) {
    %c0_i32 = arith.constant 0 : i32
    %c0_i32_0 = arith.constant 0 : i32
    return %arg0, %c0_i32 : i32, i32
  }
}

</mosaic_0001>

<sc_bundles>
// kernel: kernel.6.cloned.1.call-start
scs
__scs_entry_jumppad:
0x0: {  	(pc) =	sbr.rel $0x88, $3  }
0x1: {  	(tag) =	ssettag $0x0;
	lr =	simm.s32 $0x1  }
0x2: {  	[smem:$0x3F98] =	sst lr;
	_ =	strace $0xD0000000  }
0x3: {  	_ = 	snop  }
0x4: {  	_ = 	snop  }
0x5: {  	_ = 	snop  }
0x6: {  	_ = 	snop  }
0x7: {  	_ = 	snop  }
__scs_overlays_trampoline_lowered:
0x8: {  	[smem:$0x3FA7] =	sst s0  }
0x9: {  	[smem:$0x3FA8] =	sst s1  }
0xa: {  	[smem:$0x3FA9] =	sst s2  }
0xb: {  	[smem:$0x3FAA] =	sst s3  }
0xc: {  	[smem:$0x3FAB] =	sst s4  }
0xd: {  	[smem:$0x3FAC] =	sst s5  }
0xe: {  	[smem:$0x3FAD] =	sst s6  }
0xf: {  	[smem:$0x3FAE] =	sst s7  }
0x10: {  	[smem:$0x3FAF] =	sst s8  }
0x11: {  	[smem:$0x3FB0] =	sst s9;
	s0 =	simm.s32 @!p0 $0x0  }
0x12: {  	s1 =	sld [smem:$0x3F96];
	s0 =	simm.s32 @p0 $0x1  }
0x13: {  	[smem:$0x3FB1] =	sst s0;
	s0 =	simm.s32 @!p1 $0x0  }
0x14: {  	s2 =	sld [smem:$0x3F95];
	s0 =	simm.s32 @p1 $0x1  }
0x15: {  	[smem:$0x3FB2] =	sst s0;
	s0 =	simm.s32 @!p2 $0x0  }
0x16: {  	s3 =	sld [smem:$0x3FDB];
	s0 =	simm.s32 @p2 $0x1  }
0x17: {  	s4 =	simm.s32 $0x1BF5;
	[smem:$0x3FB4] =	sst s0  }
0x18: {  	s0 =	sld [smem:$0x3F97];
	_ =	swait.ge [sflag:s4], $0x0  }
0x19: {  	s7 =	sld [smem:$0x3F98]  }
0x1a: {  	s8 =	sadd.s32 $0xFFFFE003, lr  }
0x1b: {  	s9 =	sadd.s32 $0xFFFFFEF7, lr;
	s5 =	simm.s32 $0xFFFFFFFF;
	p2 =	slt.u32 s8, $0xFFFFF086  }
0x1c: {  	p1 =	slt.u32 s9, $0xF7A;
	s5 =	simm.s32 @!p2 $0x0  }
0x1d: {  	s5 =	simm.s32 @p1 $0x1;
	p0 =	seq.s32 s7, s2  }
0x1e: {  	s7 =	smul.u32 @!p0 $0xF7A, s2;
	p2 =	seq.s32 @!p0 s5, $0x0  }
0x1f: {  	s9 =	smul.u32 $0xF7A, s1;
	s8 =	simm.s32 @!p0 $0x1BF5;
	p2 =	por !p2, p0  }
0x20: {  	[sflag:s8] =	ssyncset.s32 @!p0 $0xFFFFF086;
	s6 =	sadd.s32 @!p0 s3, s7;
	s7 =	simm.s32 @!p0 $0x108  }
0x21: {  	s3 =	sadd.s32 s3, s9;
	s6 =	sadd.s32 @!p0 $0x88, s6;
	s7 =	simm.s32 @p2 $0x1082  }
0x22: {  	[simem:s7], [sflag:s8] =	dma.local @!p0 [hbm:s6], $0xF7A  }
0x23: {  	s9 =	sor.u32 $0xD0000000, s2;
	s6 =	simm.s32 $0x108;
	_ =	swait.ge @!p0 [sflag:s8], $0x0  }
0x24: {  	s3 =	sadd.s32 $0x88, s3;
	s6 =	simm.s32 @!p1 $0x1082;
	[sflag:s4] =	ssyncset.s32 $0xFFFFF086  }
0x25: {  	[simem:s6], [sflag:s4] =	dma.local [hbm:s3], $0xF7A  }
0x26: {  	[smem:$0x3F98] =	sst s1;
	(tag) =	ssettag s2;
	_ =	strace s9  }
0x27: {  	s1 =	sld [smem:$0x3FA8]  }
0x28: {  	s2 =	sld [smem:$0x3FA9]  }
0x29: {  	s4 =	sld [smem:$0x3FAB]  }
0x2a: {  	p0 =	seq.s32 s5, $0x0;
	s5 =	sld [smem:$0x3FAC]  }
0x2b: {  	s6 =	sld [smem:$0x3FAD]  }
0x2c: {  	s7 =	sld [smem:$0x3FAE]  }
0x2d: {  	s3 =	simm.s32 $0x108;
	s8 =	sld [smem:$0x3FAF]  }
0x2e: {  	s3 =	simm.s32 @!p0 $0x1082;
	s9 =	sld [smem:$0x3FB0]  }
0x2f: {  	lr =	sadd.s32 s0, s3;
	s0 =	sld [smem:$0x3FA7]  }
0x30: {  	s3 =	sld [smem:$0x3FAA]  }
0x31: {  	[smem:$0x3FB3] =	sst s10  }
0x32: {  	s10 =	sld [smem:$0x3FB1];
	_ =	sdelay $0x3  }
0x33: {  	p0 =	seq.s32 s10, $0x1;
	s10 =	sld [smem:$0x3FB3];
	_ =	sdelay $0x3  }
0x34: {  	[smem:$0x3FB3] =	sst s10  }
0x35: {  	s10 =	sld [smem:$0x3FB2];
	_ =	sdelay $0x3  }
0x36: {  	p1 =	seq.s32 s10, $0x1;
	s10 =	sld [smem:$0x3FB3];
	_ =	sdelay $0x3  }
0x37: {  	[smem:$0x3FB3] =	sst s10  }
0x38: {  	s10 =	sld [smem:$0x3FB4]  }
0x39: {  	_ = 	snop;
	(pc) =	sbr.ind lr, $3  }
0x3a: {  	_ = 	snop  }
0x3b: {  	_ = 	snop  }
0x3c: {  	p2 =	seq.s32 s10, $0x1;
	s10 =	sld [smem:$0x3FB3]  }
0x3d: {  	_ =	shalt  }
0x3e: {  	_ =	shalt  }
0x3f: {  	_ =	shalt  }
0x40: {  	_ =	shalt  }
0x41: {  	_ =	shalt  }
0x42: {  	_ =	shalt  }
0x43: {  	_ =	shalt  }
0x44: {  	_ =	shalt  }
0x45: {  	_ =	shalt  }
0x46: {  	_ =	shalt  }
0x47: {  	_ =	shalt  }
0x48: {  	_ =	shalt  }
0x49: {  	_ =	shalt  }
0x4a: {  	_ =	shalt  }
0x4b: {  	_ =	shalt  }
0x4c: {  	_ =	shalt  }
0x4d: {  	_ =	shalt  }
0x4e: {  	_ =	shalt  }
0x4f: {  	_ =	shalt  }
0x50: {  	_ =	shalt  }
0x51: {  	_ =	shalt  }
0x52: {  	_ =	shalt  }
0x53: {  	_ =	shalt  }
0x54: {  	_ =	shalt  }
0x55: {  	_ =	shalt  }
0x56: {  	_ =	shalt  }
0x57: {  	_ =	shalt  }
0x58: {  	_ =	shalt  }
0x59: {  	_ =	shalt  }
0x5a: {  	_ =	shalt  }
0x5b: {  	_ =	shalt  }
0x5c: {  	_ =	shalt  }
0x5d: {  	_ =	shalt  }
0x5e: {  	_ =	shalt  }
0x5f: {  	_ =	shalt  }
0x60: {  	_ =	shalt  }
0x61: {  	_ =	shalt  }
0x62: {  	_ =	shalt  }
0x63: {  	_ =	shalt  }
0x64: {  	_ =	shalt  }
0x65: {  	_ =	shalt  }
0x66: {  	_ =	shalt  }
0x67: {  	_ =	shalt  }
0x68: {  	_ =	shalt  }
0x69: {  	_ =	shalt  }
0x6a: {  	_ =	shalt  }
0x6b: {  	_ =	shalt  }
0x6c: {  	_ =	shalt  }
0x6d: {  	_ =	shalt  }
0x6e: {  	_ =	shalt  }
0x6f: {  	_ =	shalt  }
0x70: {  	_ =	shalt  }
0x71: {  	_ =	shalt  }
0x72: {  	_ =	shalt  }
0x73: {  	_ =	shalt  }
0x74: {  	_ =	shalt  }
0x75: {  	_ =	shalt  }
0x76: {  	_ =	shalt  }
0x77: {  	_ =	shalt  }
0x78: {  	_ =	shalt  }
0x79: {  	_ =	shalt  }
0x7a: {  	_ =	shalt  }
0x7b: {  	_ =	shalt  }
0x7c: {  	_ =	shalt  }
0x7d: {  	_ =	shalt  }
0x7e: {  	_ =	shalt  }
0x7f: {  	_ =	shalt  }
0x80: {  	_ =	shalt  }
0x81: {  	_ =	shalt  }
0x82: {  	_ =	shalt  }
0x83: {  	_ =	shalt  }
0x84: {  	_ =	shalt  }
0x85: {  	_ =	shalt  }
0x86: {  	_ =	shalt  }
0x87: {  	_ =	shalt  }
.Lfunc_end0:
.L_simem_size_0:
called_computation_lowered:
.L_overlay_start_0:
0x88: {  	s2 =	sld [smem:$0x3FD9]  }
0x89: {  	s3 =	sld [smem:$0x3FFE];
	_ =	sdelay $0x1  }
0x8a: {  	s1 =	srdreg.scid  }
0x8b: {  	s0 =	sand.u32 $0x1, s1  }
0x8c: {  	s17 =	sshll.u32 s0, $0xA;
	s2 =	sadd.s32 s3, s2  }
0x8d: {  	s2 =	sadd.s32 s2, s17  }
0x8e: {  	[smem:$0x3FBF] =	sst s2  }
0x8f: {  	_ = 	snop  }
0x90: {  	s2 =	sld [smem:$0x3FD0];
	(tm) =	ssettm $0x1  }
0x91: {  	s18 =	sld [smem:$0x3FFB];
	_ =	sdelay $0x3  }
0x92: {  	_ =	strace s18  }
0x93: {  	s3 =	sld [smem:$0x3FFC];
	_ =	sdelay $0x3  }
0x94: {  	_ =	strace s3  }
0x95: {  	s3 =	sld [smem:$0x3FFD];
	_ =	sdelay $0x3  }
0x96: {  	_ =	strace s3  }
0x97: {  	_ =	strace $0x8FFFFFFF  }
0x98: {  	s19 =	sld [smem:$0x3FDB];
	_ =	sdelay $0x1  }
0x99: {  	s4 =	simm.s32 $_scs_section_size  }
0x9a: {  	s5 =	simm.s32 $_size__tile_overlayer_lowered;
	s6 =	simm.s32 $_tile_overlayer_lowered  }
0x9b: {  	s22 =	simm.s32 $0x1BFF;
	s21 =	sshll.u32 s6, $0x1;
	s3 =	sadd.s32 s4, s19  }
0x9c: {  	s7 =	simm.s32 $0x0;
	s20 =	sshll.u32 s5, $0x1;
	s5 =	sadd.s32 s21, s3  }
0x9d: {  	[timem:s7], [sflag:s22] =	dma.local [hbm:s5], s20  }
0x9e: {  	_ =	swait.ge [sflag:s22], s20  }
0x9f: {  	s4 =	ssub.s32 $0x0, s20;
	[sflag:s22] =	ssyncset.done $0x0  }
0xa0: {  	[sflag:s22] =	ssyncadd.s32 s4;
	_ =	sdelay $0x1  }
0xa1: {  	s23 =	simm.s32 $0x1B8B  }
0xa2: {  	_ =	swait.ge [sflag:s23], $0x1  }
0xa3: {  	[sflag:s23] =	ssyncset.done $0x0  }
0xa4: {  	s25 =	simm.s32 $0x1B8E;
	s24 =	sld [smem:$0x3FFE];
	[sflag:s23] =	ssyncadd.s32 $0xFFFFFFFF  }
0xa5: {  	s26 =	simm.s32 $execute0_lowered;
	[smem:$0x3FD2] =	sst s25  }
0xa6: {  	s5 =	sshll.u32 s26, $0x1;
	_ =	strace $0x80000046;
	[dreg:$0x1] =	wrdreg $0xFFFFFFFF  }
0xa7: {  	s28 =	simm.s32 $_size_execute0_lowered;
	s3 =	sadd.s32 s3, s5;
	[dreg:$0x0] =	wrdreg $0x0  }
0xa8: {  	s5 =	sshll.u32 s28, $0x1;
	[dreg:$0x2] =	wrdreg s3  }
0xa9: {  	[dreg:$0x3] =	wrdreg s5  }
0xaa: {  	[dreg:$0x4] =	wrdreg $0xC0  }
0xab: {  	_ =	task [dreg:s7], $0x5FFFF  }
0xac: {  	[dreg:$0x1] =	wrdreg $0xFFFFFFFF  }
0xad: {  	[dreg:$0x0] =	wrdreg $0x60  }
0xae: {  	[dreg:$0x2] =	wrdreg s24  }
0xaf: {  	[dreg:$0x3] =	wrdreg s2  }
0xb0: {  	[dreg:$0x4] =	wrdreg $0xC7100  }
0xb1: {  	[dreg:$0x5] =	wrdreg $0x9  }
0xb2: {  	_ =	task.clear_ibuf [dreg:s7], $0x6FFFF;
	_ =	strace $0x90000046  }
0xb3: {  	s29 =	simm.s32 $0x9;
	_ =	strace $0x80000048  }
0xb4: {  	_ =	swait.ge [sflag:s29], $0x1  }
0xb5: {  	[sflag:s29] =	ssyncadd.s32 $0xFFFFFFFF  }
0xb6: {  	_ =	strace $0x90000048  }
0xb7: {  	_ =	sfence  }
0xb8: {  	s30 =	sld [smem:$0x0];
	_ =	sdelay $0x2  }
0xb9: {  	s31 =	sshll.u32 s1, $0xD;
	s1 =	sshrl.u32 s1, $0x2  }
0xba: {  	s3 =	sand.u32 $0x4000, s31;
	s1 =	sadd.s32 s1, s30  }
0xbb: {  	s0 =	sor.u32 s3, s0;
	s1 =	sshll.u32 s1, $0x11  }
0xbc: {  	s0 =	sor.u32 s1, s0  }
0xbd: {  	s0 =	sadd.s32 $0x8F2B, s0  }
0xbe: {  	[sflag:s0] =	ssyncadd.remote.s32 $0x1  }
0xbf: {  	_ =	sfence.sel $0xFFFF  }
0xc0: {  	[dreg:$0x0] =	wrdreg $0xFFFFFFFF;
	(pc) =	sbr.abs _section_cstart, $3  }
0xc1: {  	[dreg:$0x1] =	wrdreg $0xFFFFFFFF  }
0xc2: {  	_ =	task.clear_ibuf [dreg:s7], $0x2FFFF;
	_ =	strace $0x9FFFFFFF  }
0xc3: {  	(tm) =	ssettm $0x7FFFFFFF  }
tec
execute0_lowered:
.L_overlay_start_1:
0x0: {  	(tag) =	ssettag $0x1  }
0x1: {  	s0 =	rddreg [dreg:$0x0]  }
0x2: {  	s6 =	rddreg [dreg:$0x1]  }
0x3: {  	s1 =	rddreg [dreg:$0x2];
	s3 =	simm.s32 $0x0;
	s4 =	srdreg.scid  }
0x4: {  	s2 =	stileid.u32;
	s13 =	simm.s32 $0x7;
	s15 =	simm.s32 $0x4F10  }
0x5: {  	s16 =	simm.s32 $0x50;
	s17 =	simm.s32 $0x2710;
	s20 =	simm.s32 $0x3  }
0x6: {  	s21 =	simm.s32 $0x1;
	s22 =	simm.s32 $0x7710;
	s23 =	simm.s32 $0x5  }
0x7: {  	s24 =	simm.s32 $0x6;
	s28 =	simm.s32 $0x8B10;
	s29 =	simm.s32 $0x0  }
0x8: {  	[smem:$0x7FF] =	sst s3;
	s7 =	sand.u32 $0x1, s4;
	s5 =	sshll.u32 s2, $0x1  }
0x9: {  	s4 =	sadd.s32 $0xE00, s0;
	s8 =	smul.u32 $0x27100, s7;
	s9 =	sor.u32 s7, s5  }
0xa: {  	s10 =	sadd.s32 $0x299000, s0;
	_ =	strace $0x80000047;
	s25 =	smul.u32 $0x9C400, s9  }
0xb: {  	s5 =	sadd.s32 $0x28000, s0;
	s7 =	ssub.s32 $0x2, s7;
	s26 =	smul.u32 $0x4E2, s9  }
0xc: {  	[dreg:$0x4] =	wrdreg s10;
	s11 =	sshrl.u32 s7, $0x1;
	s12 =	smul.u32 $0x13880, s9  }
0xd: {  	s0 =	sadd.s32 s8, s0;
	s7 =	ssub.s32 s7, s11;
	s8 =	smul.u32 $0x2710, s9  }
0xe: {  	s10 =	sshrl.u32 s25, $0x3;
	s6 =	sadd.s32 s6, s26;
	s31 =	sadd.s32 s5, s12  }
0xf: {  	s11 =	smax.u32 s7, $0x1;
	[dreg:$0x5] =	wrdreg s6;
	s30 =	sadd.s32 s5, s10  }
0x10: {  	s12 =	sadd.s32 $0x299600, s0;
	[dreg:$0x6] =	wrdreg s31;
	s6 =	sadd.s32 $0x280, s30  }
0x11: {  	s25 =	simm.s32 $0x4;
	s26 =	simm.s32 $0x2;
	[dreg:$0x7] =	wrdreg s6  }
.LBB2_1:
0x12: {  	s0 =	rddreg [dreg:$0x5]  }
0x13: {  	[tilespmem:s3], [sflag:$0x7] =	stream.linear.gather [hbm4b:s0+s3], $0x2710, $0x38;
	[tilespmem:$0x1FFB0] =	vst v63  }
0x14: {  	_ =	swait.ge [sflag:s13], $0x2710  }
0x15: {  	[sflag:s13] =	ssyncset.done $0x0  }
0x16: {  	s6 =	simm.s32 $0x9F10;
	s30 =	rddreg [dreg:$0x4];
	[sflag:s13] =	ssyncadd.s32 $0xFFFFD8F0  }
0x17: {  	[tilespmem:s6], [sflag:$0x7] =	stream.linear.gather [hbm4b:s30+s3], $0x2800, $0x38;
	[tilespmem:$0x1FFB0] =	vst v63  }
0x18: {  	s31 =	sand.u32 $0xF, s3;
	_ =	swait.ge [sflag:s13], $0x2800  }
0x19: {  	p0 =	sne.s32 s2, s31;
	[sflag:s13] =	ssyncset.done $0x0  }
0x1a: {  	s0 =	simm.s32 @!p0 $0x9F10;
	s9 =	simm.s32 @!p0 $0x7;
	[sflag:s13] =	ssyncadd.s32 $0xFFFFD800  }
0x1b: {  	[spmem:s1] =	stream.linear.scatter @!p0 [tilespmem:s0], [sflag:$0x7], $0x2800, $0x38;
	[tilespmem:$0x1FFB0] =	vst v63  }
0x1c: {  	s7 =	simm.s32 $0x2;
	_ =	swait.ge @!p0 [sflag:s9], $0x2800  }
0x1d: {  	s6 =	simm.s32 $0x1;
	s0 =	sadd.s32 $0x2800, s1;
	[sflag:s9] =	ssyncset.done @!p0 $0x0  }
.LBB2_2:
0x1e: {  	s10 =	sand.u32 $0xF, s6;
	s6 =	smov.u32 s7;
	s7 =	sadd.s32 $0x1, s7  }
0x1f: {  	[sflag:s9] =	ssyncadd.s32 @!p0 $0xFFFFD800;
	p1 =	sne.s32 s7, $0x7D  }
.Ltmp0:
0x20: {  	p0 =	sne.s32 s2, s10;
	(pc) =	sbr.rel @p1 .LBB2_2-.Ltmp0, $4  }
0x21: {  	s10 =	simm.s32 @!p0 $0x9F10;
	s9 =	simm.s32 @!p0 $0x7  }
0x22: {  	[spmem:s0] =	stream.linear.scatter @!p0 [tilespmem:s10], [sflag:$0x7], $0x2800, $0x38;
	[tilespmem:$0x1FFB0] =	vst v63  }
0x23: {  	_ =	swait.ge @!p0 [sflag:s9], $0x2800  }
0x24: {  	s0 =	sadd.s32 $0x2800, s0;
	[sflag:s9] =	ssyncset.done @!p0 $0x0  }
0x25: {  	s6 =	sand.u32 $0xF, s6  }
0x26: {  	p1 =	sne.s32 s2, s6  }
0x27: {  	[sflag:s9] =	ssyncadd.s32 @!p0 $0xFFFFD800;
	s6 =	simm.s32 @!p1 $0x9F10;
	s7 =	simm.s32 @!p1 $0x7  }
0x28: {  	[spmem:s0] =	stream.linear.scatter @!p1 [tilespmem:s6], [sflag:$0x7], $0x2800, $0x38;
	[tilespmem:$0x1FFB0] =	vst v63  }
0x29: {  	_ =	swait.ge @!p1 [sflag:s7], $0x2800  }
0x2a: {  	[sflag:s7] =	ssyncset.done @!p1 $0x0  }
0x2b: {  	[sflag:s7] =	ssyncadd.s32 @!p1 $0xFFFFD800  }
0x2c: {  	[bflag:$0x0] =	sbarrier.arrive $0xFFFF  }
0x2d: {  	s30 =	simm.s32 $0x0;
	s14 =	rddreg [dreg:$0x6]  }
0x2e: {  	[tilespmem:s15], [sflag:$0x3] =	stream.linear.gather [hbm4b:s14+s30], $0x1400, $0x38;
	[tilespmem:$0x1FFB0] =	vst v63  }
0x2f: {  	_ = 	snop  }
0x30: {  	[tilespmem:s17], [sflag:$0x1] =	stream.indirect.gather [hbm4b:s4+s16], $0x40, s30, s16, $0xb8;
	[tilespmem:$0x1FFB0] =	vst v63  }
.Ltmp1:
0x31: {  	_ = 	snop;
	(pc) =	sbr.rel .LBB2_4-.Ltmp1, $4  }
0x32: {  	s19 =	simm.s32 $0x6310;
	s18 =	rddreg [dreg:$0x7]  }
0x33: {  	[tilespmem:s19], [sflag:$0x4] =	stream.linear.gather [hbm4b:s18+s30], $0x1400, $0x38;
	[tilespmem:$0x1FFB0] =	vst v63  }
0x34: {  	s31 =	simm.s32 $0x3B10  }
0x35: {  	[tilespmem:s31], [sflag:$0x2] =	stream.indirect.gather [hbm4b:s4+s16], $0x40, s16, s16, $0xb8;
	[tilespmem:$0x1FFB0] =	vst v63  }
.LBB2_11:
0x36: {  	s30 =	sadd.s32 $0x1, s30  }
0x37: {  	p0 =	sne.s32 s30, $0x3F  }
.Ltmp2:
0x38: {  	_ = 	snop;
	(pc) =	sbr.rel @!p0 .LBB2_12-.Ltmp2, $1  }
0x39: {  	_ =	sdelay $0x3  }
.LBB2_4:
0x3a: {  	_ =	swait.ge [sflag:s20], $0x1400  }
0x3b: {  	[sflag:s20] =	ssyncset.done $0x0  }
0x3c: {  	[sflag:s20] =	ssyncadd.s32 $0xFFFFEC00  }
0x3d: {  	_ =	swait.ge [sflag:s21], $0x1400  }
0x3e: {  	p0 =	seq.s32 s30, $0x0;
	[sflag:s21] =	ssyncset.done $0x0  }
0x3f: {  	s0 =	simm.s32 @!p0 $0x5;
	[sflag:s21] =	ssyncadd.s32 $0xFFFFEC00  }
0x40: {  	_ =	swait.ge @!p0 [sflag:s0], $0x1400  }
0x41: {  	[sflag:s0] =	ssyncset.done @!p0 $0x0  }
0x42: {  	s7 =	simm.s32 $0x3200;
	[sflag:s0] =	ssyncadd.s32 @!p0 $0xFFFFEC00  }
0x43: {  	s6 =	simm.s32 $0x5010;
	v0 =	vld [tilespmem:s7+$0xFFFFF5D0]  }
0x44: {  	v1 =	vld [tilespmem:s6+$0x80];
	_ =	sdelay $0x4  }
0x45: {  	v2 =	vld [tilespmem:s7+$0xFFFFF550];
	v0 =	vadd.f32 v1, v0  }
0x46: {  	v1 =	vld [tilespmem:s6+$0xFFFFFF80]  }
0x47: {  	s0 =	simm.s32 $0x8200;
	v3 =	vld [tilespmem:s6+$0xFFFFFF00];
	v0 =	vmax.f32 v0, $0.0e+00  }
0x48: {  	v4 =	vld [tilespmem:s7+$0xFFFFF510];
	[tilespmem:s0+$0xFFFFF5D0] =	vst v0  }
0x49: {  	v0 =	vld [tilespmem:s7+$0xFFFFFFD0]  }
0x4a: {  	v5 =	vld [tilespmem:s6+$0xC0]  }
0x4b: {  	v6 =	vld [tilespmem:s7+$0xFFFFF590];
	v1 =	vadd.f32 v1, v2  }
0x4c: {  	v2 =	vld [tilespmem:s6+$0x0]  }
0x4d: {  	v3 =	vadd.f32 v3, v4;
	v1 =	vmax.f32 v1, $0.0e+00  }
0x4e: {  	[tilespmem:s0+$0xFFFFF550] =	vst v1  }
0x4f: {  	v3 =	vmax.f32 v3, $0.0e+00;
	v1 =	vld [tilespmem:s7+$0xFFFFFF50];
	v0 =	vadd.f32 v5, v0  }
0x50: {  	[tilespmem:s0+$0xFFFFF510] =	vst v3;
	v4 =	vld [tilespmem:s6+$0xFFFFFFC0]  }
0x51: {  	v3 =	vld [tilespmem:s7+$0xFFFFFF10];
	v2 =	vadd.f32 v2, v6;
	v0 =	vmax.f32 v0, $0.0e+00  }
0x52: {  	v5 =	vld [tilespmem:s6+$0xFFFFFF40];
	[tilespmem:s0+$0xFFFFFFD0] =	vst v0  }
0x53: {  	v0 =	vmax.f32 v2, $0.0e+00;
	v2 =	vld [tilespmem:s7+$0xFFFFF5E0]  }
0x54: {  	[tilespmem:s0+$0xFFFFF590] =	vst v0;
	v0 =	vld [tilespmem:s6+$0x90]  }
0x55: {  	v6 =	vld [tilespmem:s7+$0xFFFFFF90];
	v1 =	vadd.f32 v4, v1  }
0x56: {  	v4 =	vld [tilespmem:s6+$0x40]  }
0x57: {  	v1 =	vmax.f32 v1, $0.0e+00  }
0x58: {  	v3 =	vadd.f32 v5, v3;
	[tilespmem:s0+$0xFFFFFF50] =	vst v1  }
0x59: {  	v1 =	vld [tilespmem:s7+$0xFFFFF560];
	v0 =	vadd.f32 v0, v2  }
0x5a: {  	v3 =	vmax.f32 v3, $0.0e+00;
	v2 =	vld [tilespmem:s6+$0xFFFFFF90]  }
0x5b: {  	[tilespmem:s0+$0xFFFFFF10] =	vst v3;
	v3 =	vadd.f32 v4, v6;
	v0 =	vmax.f32 v0, $0.0e+00  }
0x5c: {  	[tilespmem:s0+$0xFFFFF5E0] =	vst v0  }
0x5d: {  	v0 =	vmax.f32 v3, $0.0e+00;
	v3 =	vld [tilespmem:s7+$0xFFFFFFE0]  }
0x5e: {  	[tilespmem:s0+$0xFFFFFF90] =	vst v0;
	v0 =	vld [tilespmem:s6+$0xD0]  }
0x5f: {  	v1 =	vadd.f32 v2, v1;
	v2 =	vld [tilespmem:s7+$0xFFFFF5A0]  }
0x60: {  	v6 =	vld [tilespmem:s6+$0x10]  }
0x61: {  	v5 =	vld [tilespmem:s6+$0xFFFFFF10];
	v1 =	vmax.f32 v1, $0.0e+00  }
0x62: {  	v4 =	vld [tilespmem:s7+$0xFFFFF520];
	[tilespmem:s0+$0xFFFFF560] =	vst v1  }
0x63: {  	v1 =	vld [tilespmem:s7+$0xFFFFFF60];
	v0 =	vadd.f32 v0, v3  }
0x64: {  	v3 =	vld [tilespmem:s6+$0xFFFFFFD0]  }
0x65: {  	v2 =	vadd.f32 v6, v2;
	v0 =	vmax.f32 v0, $0.0e+00  }
0x66: {  	[tilespmem:s0+$0xFFFFFFE0] =	vst v0  }
0x67: {  	v4 =	vadd.f32 v5, v4;
	v0 =	vmax.f32 v2, $0.0e+00;
	v2 =	vld [tilespmem:s7+$0xFFFFF5F0]  }
0x68: {  	[tilespmem:s0+$0xFFFFF5A0] =	vst v0;
	v0 =	vld [tilespmem:s6+$0xA0]  }
0x69: {  	v4 =	vmax.f32 v4, $0.0e+00;
	v1 =	vadd.f32 v3, v1;
	v3 =	vld [tilespmem:s7+$0xFFFFFFA0]  }
0x6a: {  	[tilespmem:s0+$0xFFFFF520] =	vst v4;
	v6 =	vld [tilespmem:s6+$0x50]  }
0x6b: {  	v4 =	vld [tilespmem:s7+$0xFFFFFF20];
	v1 =	vmax.f32 v1, $0.0e+00  }
0x6c: {  	v5 =	vld [tilespmem:s6+$0xFFFFFF50];
	[tilespmem:s0+$0xFFFFFF60] =	vst v1  }
0x6d: {  	v1 =	vld [tilespmem:s7+$0xFFFFF570];
	v0 =	vadd.f32 v0, v2  }
0x6e: {  	v2 =	vld [tilespmem:s6+$0xFFFFFFA0]  }
0x6f: {  	s18 =	simm.s32 $0x5210;
	v3 =	vadd.f32 v6, v3;
	v0 =	vmax.f32 v0, $0.0e+00  }
0x70: {  	v10 =	vld [tilespmem:s18+$0xFFFFFF00];
	[tilespmem:s0+$0xFFFFF5F0] =	vst v0  }
0x71: {  	v0 =	vmax.f32 v3, $0.0e+00;
	v3 =	vld [tilespmem:s7+$0xFFFFFFF0]  }
0x72: {  	v4 =	vadd.f32 v5, v4;
	[tilespmem:s0+$0xFFFFFFA0] =	vst v0;
	v0 =	vld [tilespmem:s6+$0xE0]  }
0x73: {  	v1 =	vadd.f32 v2, v1;
	v2 =	vld [tilespmem:s7+$0xFFFFF5B0]  }
0x74: {  	s14 =	simm.s32 $0x3300;
	v4 =	vmax.f32 v4, $0.0e+00;
	v6 =	vld [tilespmem:s6+$0x20]  }
0x75: {  	v53 =	vld [tilespmem:s14+$0xFFFFF510];
	[tilespmem:s0+$0xFFFFFF20] =	vst v4  }
0x76: {  	v4 =	vld [tilespmem:s7+$0xFFFFF530]  }
0x77: {  	v5 =	vld [tilespmem:s6+$0xFFFFFF20];
	v0 =	vadd.f32 v0, v3  }
0x78: {  	v8 =	vld [tilespmem:s14+$0xFFFFF5D0]  }
0x79: {  	v9 =	vld [tilespmem:s18+$0x80];
	v2 =	vadd.f32 v6, v2;
	v0 =	vmax.f32 v0, $0.0e+00  }
0x7a: {  	v11 =	vld [tilespmem:s18+$0xFFFFFF80];
	v10 =	vadd.f32 v10, v53;
	[tilespmem:s0+$0xFFFFFFF0] =	vst v0  }
0x7b: {  	v0 =	vmax.f32 v2, $0.0e+00;
	v2 =	vld [tilespmem:s7+$0xFFFFF600]  }
0x7c: {  	s31 =	simm.s32 $0x8300;
	v10 =	vmax.f32 v10, $0.0e+00;
	v4 =	vadd.f32 v5, v4;
	[tilespmem:s0+$0xFFFFF5B0] =	vst v0;
	v0 =	vld [tilespmem:s6+$0xB0]  }
0x7d: {  	v12 =	vld [tilespmem:s14+$0xFFFFF590];
	[tilespmem:s31+$0xFFFFF510] =	vst v10;
	v1 =	vmax.f32 v1, $0.0e+00  }
0x7e: {  	v10 =	vld [tilespmem:s14+$0xFFFFFF10];
	[tilespmem:s0+$0xFFFFF570] =	vst v1;
	v4 =	vmax.f32 v4, $0.0e+00  }
0x7f: {  	v1 =	vld [tilespmem:s7+$0xFFFFFF70];
	[tilespmem:s0+$0xFFFFF530] =	vst v4  }
0x80: {  	v4 =	vld [tilespmem:s7+$0xFFFFFF30]  }
0x81: {  	v5 =	vld [tilespmem:s6+$0xFFFFFF60];
	v0 =	vadd.f32 v0, v2  }
0x82: {  	v2 =	vld [tilespmem:s14+$0xFFFFF550]  }
0x83: {  	v3 =	vld [tilespmem:s6+$0xFFFFFFE0];
	v0 =	vmax.f32 v0, $0.0e+00  }
0x84: {  	v6 =	vld [tilespmem:s7+$0xFFFFFFB0];
	[tilespmem:s0+$0xFFFFF600] =	vst v0;
	v0 =	vadd.f32 v9, v8  }
0x85: {  	v7 =	vld [tilespmem:s6+$0x60]  }
0x86: {  	v4 =	vadd.f32 v5, v4;
	v5 =	vld [tilespmem:s18+$0x0];
	v0 =	vmax.f32 v0, $0.0e+00  }
0x87: {  	v55 =	vld [tilespmem:s18+$0xFFFFFF40];
	v2 =	vadd.f32 v11, v2;
	[tilespmem:s31+$0xFFFFF5D0] =	vst v0  }
0x88: {  	v0 =	vmax.f32 v4, $0.0e+00;
	v4 =	vld [tilespmem:s14+$0xFFFFFFD0]  }
0x89: {  	v1 =	vadd.f32 v3, v1;
	[tilespmem:s0+$0xFFFFFF30] =	vst v0;
	v0 =	vmax.f32 v2, $0.0e+00;
	v2 =	vld [tilespmem:s18+$0xC0]  }
0x8a: {  	v6 =	vadd.f32 v7, v6;
	v8 =	vld [tilespmem:s7+$0x0]  }
0x8b: {  	v1 =	vmax.f32 v1, $0.0e+00;
	v5 =	vadd.f32 v5, v12;
	v52 =	vld [tilespmem:s6+$0xF0];
	[tilespmem:s31+$0xFFFFF550] =	vst v0  }
0x8c: {  	[tilespmem:s0+$0xFFFFFF70] =	vst v1;
	v6 =	vmax.f32 v6, $0.0e+00;
	v3 =	vld [tilespmem:s14+$0xFFFFFF50]  }
0x8d: {  	v1 =	vmax.f32 v5, $0.0e+00;
	[tilespmem:s0+$0xFFFFFFB0] =	vst v6;
	v54 =	vld [tilespmem:s18+$0xFFFFFFC0]  }
0x8e: {  	v6 =	vld [tilespmem:s6+$0xFFFFFFB0];
	[tilespmem:s31+$0xFFFFF590] =	vst v1;
	v1 =	vadd.f32 v2, v4  }
0x8f: {  	v58 =	vld [tilespmem:s7+$0xFFFFF5C0]  }
0x90: {  	v59 =	vld [tilespmem:s6+$0x30];
	v1 =	vmax.f32 v1, $0.0e+00  }
0x91: {  	v0 =	vld [tilespmem:s7+$0xFFFFF540];
	[tilespmem:s31+$0xFFFFFFD0] =	vst v1  }
0x92: {  	v3 =	vadd.f32 v54, v3;
	v1 =	vld [tilespmem:s14+$0xFFFFF5E0]  }
0x93: {  	v56 =	vld [tilespmem:s18+$0x90]  }
0x94: {  	v4 =	vld [tilespmem:s14+$0xFFFFFF90];
	v3 =	vmax.f32 v3, $0.0e+00  }
0x95: {  	[tilespmem:s31+$0xFFFFFF50] =	vst v3;
	v3 =	vld [tilespmem:s18+$0x40]  }
0x96: {  	v10 =	vadd.f32 v55, v10;
	v7 =	vld [tilespmem:s14+$0xFFFFF560]  }
0x97: {  	v57 =	vld [tilespmem:s18+$0xFFFFFF90]  }
0x98: {  	v10 =	vmax.f32 v10, $0.0e+00;
	v5 =	vld [tilespmem:s6+$0xFFFFFF30];
	v1 =	vadd.f32 v56, v1  }
0x99: {  	[tilespmem:s31+$0xFFFFFF10] =	vst v10;
	v2 =	vld [tilespmem:s7+$0xFFFFF580]  }
0x9a: {  	v3 =	vadd.f32 v3, v4;
	v4 =	vld [tilespmem:s14+$0xFFFFF520];
	v1 =	vmax.f32 v1, $0.0e+00  }
0x9b: {  	[tilespmem:s31+$0xFFFFF5E0] =	vst v1;
	v1 =	vld [tilespmem:s18+$0xFFFFFF10]  }
0x9c: {  	v7 =	vadd.f32 v57, v7;
	v3 =	vmax.f32 v3, $0.0e+00;
	v60 =	vld [tilespmem:s14+$0xFFFFFFE0]  }
0x9d: {  	v0 =	vadd.f32 v5, v0;
	[tilespmem:s31+$0xFFFFFF90] =	vst v3;
	v3 =	vld [tilespmem:s18+$0xD0]  }
0x9e: {  	v5 =	vmax.f32 v7, $0.0e+00;
	v7 =	vld [tilespmem:s14+$0xFFFFF5A0]  }
0x9f: {  	v0 =	vmax.f32 v0, $0.0e+00;
	[tilespmem:s31+$0xFFFFF560] =	vst v5;
	v5 =	vld [tilespmem:s18+$0x10]  }
0xa0: {  	[tilespmem:s0+$0xFFFFF540] =	vst v0;
	v0 =	vld [tilespmem:s18+$0xFFFFFFD0];
	v1 =	vadd.f32 v1, v4  }
0xa1: {  	v4 =	vld [tilespmem:s14+$0xFFFFFF60]  }
0xa2: {  	v61 =	vld [tilespmem:s7+$0xFFFFFF40];
	v3 =	vadd.f32 v3, v60;
	v1 =	vmax.f32 v1, $0.0e+00  }
0xa3: {  	[tilespmem:s31+$0xFFFFF520] =	vst v1;
	v1 =	vld [tilespmem:s6+$0xFFFFFF70]  }
0xa4: {  	v5 =	vadd.f32 v5, v7;
	v3 =	vmax.f32 v3, $0.0e+00;
	v7 =	vld [tilespmem:s14+$0xFFFFFF20]  }
0xa5: {  	[tilespmem:s31+$0xFFFFFFE0] =	vst v3;
	v3 =	vld [tilespmem:s18+$0xFFFFFF50]  }
0xa6: {  	v0 =	vadd.f32 v0, v4;
	v4 =	vmax.f32 v5, $0.0e+00;
	v5 =	vld [tilespmem:s14+$0xFFFFF5F0]  }
0xa7: {  	[tilespmem:s31+$0xFFFFF5A0] =	vst v4;
	v4 =	vld [tilespmem:s18+$0xA0]  }
0xa8: {  	v2 =	vadd.f32 v6, v2;
	v0 =	vmax.f32 v0, $0.0e+00;
	v6 =	vld [tilespmem:s14+$0xFFFFFFA0]  }
0xa9: {  	[tilespmem:s31+$0xFFFFFF60] =	vst v0;
	v0 =	vld [tilespmem:s18+$0x50]  }
0xaa: {  	v2 =	vmax.f32 v2, $0.0e+00;
	v3 =	vadd.f32 v3, v7;
	v7 =	vld [tilespmem:s14+$0xFFFFF570]  }
0xab: {  	[tilespmem:s0+$0xFFFFF580] =	vst v2;
	v2 =	vld [tilespmem:s18+$0xFFFFFFA0]  }
0xac: {  	v3 =	vmax.f32 v3, $0.0e+00;
	v4 =	vadd.f32 v4, v5;
	v5 =	vld [tilespmem:s7+$0xFFFFFF80]  }
0xad: {  	[tilespmem:s31+$0xFFFFFF20] =	vst v3;
	v3 =	vld [tilespmem:s6+$0xFFFFFFF0]  }
0xae: {  	v0 =	vadd.f32 v0, v6;
	v6 =	vld [tilespmem:s14+$0xFFFFF530];
	v4 =	vmax.f32 v4, $0.0e+00  }
0xaf: {  	[tilespmem:s31+$0xFFFFF5F0] =	vst v4;
	v4 =	vld [tilespmem:s18+$0xFFFFFF20]  }
0xb0: {  	v2 =	vadd.f32 v2, v7;
	v0 =	vmax.f32 v0, $0.0e+00;
	v7 =	vld [tilespmem:s14+$0xFFFFFFF0]  }
0xb1: {  	[tilespmem:s31+$0xFFFFFFA0] =	vst v0;
	v0 =	vld [tilespmem:s18+$0xE0]  }
0xb2: {  	v10 =	vadd.f32 v59, v58;
	v2 =	vmax.f32 v2, $0.0e+00;
	v62 =	vld [tilespmem:s14+$0xFFFFF5B0]  }
0xb3: {  	[tilespmem:s31+$0xFFFFF570] =	vst v2;
	v2 =	vld [tilespmem:s18+$0x20]  }
0xb4: {  	v10 =	vmax.f32 v10, $0.0e+00;
	v63 =	vld [tilespmem:s18+$0xFFFFFFE0];
	v4 =	vadd.f32 v4, v6  }
0xb5: {  	v8 =	vadd.f32 v52, v8;
	[tilespmem:s0+$0xFFFFF5C0] =	vst v10;
	v6 =	vld [tilespmem:s14+$0xFFFFFF70]  }
0xb6: {  	v10 =	vld [tilespmem:s6+$0x70];
	v4 =	vmax.f32 v4, $0.0e+00;
	v0 =	vadd.f32 v0, v7  }
0xb7: {  	v8 =	vmax.f32 v8, $0.0e+00;
	v1 =	vadd.f32 v1, v61;
	v7 =	vld [tilespmem:s7+$0xFFFFFFC0];
	[tilespmem:s31+$0xFFFFF530] =	vst v4  }
0xb8: {  	[tilespmem:s0+$0x0] =	vst v8;
	v8 =	vadd.f32 v2, v62;
	v2 =	vld [tilespmem:s14+$0xFFFFFF30];
	v0 =	vmax.f32 v0, $0.0e+00  }
0xb9: {  	v1 =	vmax.f32 v1, $0.0e+00;
	v3 =	vadd.f32 v3, v5;
	v4 =	vld [tilespmem:s18+$0xFFFFFF60];
	[tilespmem:s31+$0xFFFFFFF0] =	vst v0  }
0xba: {  	[tilespmem:s0+$0xFFFFFF40] =	vst v1;
	v0 =	vadd.f32 v63, v6;
	v5 =	vmax.f32 v8, $0.0e+00;
	v1 =	vld [tilespmem:s14+$0xFFFFF600]  }
0xbb: {  	v6 =	vmax.f32 v3, $0.0e+00;
	[tilespmem:s31+$0xFFFFF5B0] =	vst v5;
	v3 =	vld [tilespmem:s18+$0xB0]  }
0xbc: {  	s9 =	simm.s32 $0x3400;
	[tilespmem:s0+$0xFFFFFF80] =	vst v6;
	v6 =	vmax.f32 v0, $0.0e+00;
	v5 =	vld [tilespmem:s14+$0xFFFFFFB0];
	v0 =	vadd.f32 v10, v7  }
0xbd: {  	s19 =	simm.s32 $0x5210;
	s6 =	sshll.u32 s30, $0x1;
	s7 =	simm.s32 $0x4;
	[tilespmem:s31+$0xFFFFFF70] =	vst v6;
	v6 =	vld [tilespmem:s18+$0x60]  }
.LBB2_5:
0xbe: {  	v7 =	vld [tilespmem:s9+$0xFFFFF5D0];
	v2 =	vadd.f32 v4, v2;
	s18 =	sadd.s32 $0x200, s18;
	v0 =	vmax.f32 v0, $0.0e+00  }
0xbf: {  	v4 =	vld [tilespmem:s18+$0x80];
	[tilespmem:s0+$0xFFFFFFC0] =	vst v0;
	s0 =	smov.u32 s31  }
0xc0: {  	v0 =	vld [tilespmem:s18+$0xFFFFFF00];
	v2 =	vmax.f32 v2, $0.0e+00;
	v1 =	vadd.f32 v3, v1  }
0xc1: {  	v3 =	vld [tilespmem:s9+$0xFFFFF550];
	[tilespmem:s31+$0xFFFFFF30] =	vst v2  }
0xc2: {  	v2 =	vld [tilespmem:s18+$0xFFFFFF80];
	v5 =	vadd.f32 v6, v5;
	v1 =	vmax.f32 v1, $0.0e+00  }
0xc3: {  	v6 =	vld [tilespmem:s9+$0xFFFFF590];
	[tilespmem:s31+$0xFFFFF600] =	vst v1  }
0xc4: {  	v1 =	vadd.f32 v4, v7;
	v4 =	vmax.f32 v5, $0.0e+00;
	v5 =	vld [tilespmem:s14+$0x0]  }
0xc5: {  	[tilespmem:s31+$0xFFFFFFB0] =	vst v4;
	v4 =	vld [tilespmem:s19+$0xF0]  }
0xc6: {  	s7 =	sadd.s32 $0x4, s7;
	s31 =	sadd.s32 $0x100, s31;
	v7 =	vld [tilespmem:s18+$0x0];
	v1 =	vmax.f32 v1, $0.0e+00  }
0xc7: {  	p1 =	slt.u32 s7, $0x24;
	v8 =	vld [tilespmem:s9+$0xFFFFF510];
	v2 =	vadd.f32 v2, v3;
	[tilespmem:s31+$0xFFFFF5D0] =	vst v1  }
0xc8: {  	v1 =	vld [tilespmem:s9+$0xFFFFFFD0]  }
0xc9: {  	v2 =	vmax.f32 v2, $0.0e+00;
	v3 =	vld [tilespmem:s18+$0xC0]  }
0xca: {  	[tilespmem:s31+$0xFFFFF550] =	vst v2;
	v2 =	vld [tilespmem:s14+$0xFFFFF540];
	v4 =	vadd.f32 v4, v5  }
0xcb: {  	v5 =	vld [tilespmem:s9+$0xFFFFFF50];
	v6 =	vadd.f32 v7, v6  }
0xcc: {  	v0 =	vadd.f32 v0, v8;
	v7 =	vld [tilespmem:s18+$0xFFFFFFC0];
	v4 =	vmax.f32 v4, $0.0e+00  }
0xcd: {  	v6 =	vmax.f32 v6, $0.0e+00;
	v8 =	vld [tilespmem:s19+$0xFFFFFF30];
	[tilespmem:s0+$0x0] =	vst v4  }
0xce: {  	v0 =	vmax.f32 v0, $0.0e+00;
	[tilespmem:s31+$0xFFFFF590] =	vst v6;
	v1 =	vadd.f32 v3, v1;
	v3 =	vld [tilespmem:s14+$0xFFFFF580]  }
0xcf: {  	[tilespmem:s31+$0xFFFFF510] =	vst v0;
	v0 =	vld [tilespmem:s9+$0xFFFFFF90]  }
0xd0: {  	v4 =	vld [tilespmem:s9+$0xFFFFFF10];
	v1 =	vmax.f32 v1, $0.0e+00  }
0xd1: {  	v6 =	vld [tilespmem:s18+$0xFFFFFF40];
	v5 =	vadd.f32 v7, v5;
	[tilespmem:s31+$0xFFFFFFD0] =	vst v1  }
0xd2: {  	v1 =	vld [tilespmem:s9+$0xFFFFF5E0];
	v2 =	vadd.f32 v8, v2  }
0xd3: {  	v5 =	vmax.f32 v5, $0.0e+00;
	v7 =	vld [tilespmem:s18+$0x90]  }
0xd4: {  	[tilespmem:s31+$0xFFFFFF50] =	vst v5;
	v5 =	vld [tilespmem:s18+$0x40];
	v2 =	vmax.f32 v2, $0.0e+00  }
0xd5: {  	v8 =	vld [tilespmem:s9+$0xFFFFF560];
	[tilespmem:s0+$0xFFFFF540] =	vst v2  }
0xd6: {  	v2 =	vadd.f32 v6, v4;
	v4 =	vld [tilespmem:s18+$0xFFFFFF90]  }
0xd7: {  	v6 =	vld [tilespmem:s19+$0xFFFFFFB0]  }
0xd8: {  	v2 =	vmax.f32 v2, $0.0e+00;
	v1 =	vadd.f32 v7, v1;
	v7 =	vld [tilespmem:s14+$0xFFFFF5C0]  }
0xd9: {  	[tilespmem:s31+$0xFFFFFF10] =	vst v2;
	v0 =	vadd.f32 v5, v0;
	v2 =	vld [tilespmem:s19+$0x30]  }
0xda: {  	v5 =	vld [tilespmem:s9+$0xFFFFF520];
	v1 =	vmax.f32 v1, $0.0e+00  }
0xdb: {  	v9 =	vld [tilespmem:s18+$0xFFFFFF10];
	v4 =	vadd.f32 v4, v8;
	v0 =	vmax.f32 v0, $0.0e+00;
	[tilespmem:s31+$0xFFFFF5E0] =	vst v1  }
0xdc: {  	[tilespmem:s31+$0xFFFFFF90] =	vst v0;
	v0 =	vld [tilespmem:s9+$0xFFFFFFE0];
	v1 =	vadd.f32 v6, v3  }
0xdd: {  	v3 =	vmax.f32 v4, $0.0e+00;
	v4 =	vld [tilespmem:s18+$0xD0]  }
0xde: {  	[tilespmem:s31+$0xFFFFF560] =	vst v3;
	v3 =	vld [tilespmem:s9+$0xFFFFF5A0];
	v1 =	vmax.f32 v1, $0.0e+00;
	v2 =	vadd.f32 v2, v7  }
0xdf: {  	v6 =	vld [tilespmem:s18+$0x10];
	[tilespmem:s0+$0xFFFFF580] =	vst v1  }
0xe0: {  	v1 =	vadd.f32 v9, v5;
	v5 =	vld [tilespmem:s9+$0xFFFFFF60];
	v2 =	vmax.f32 v2, $0.0e+00  }
0xe1: {  	v7 =	vld [tilespmem:s18+$0xFFFFFFD0];
	[tilespmem:s0+$0xFFFFF5C0] =	vst v2  }
0xe2: {  	v1 =	vmax.f32 v1, $0.0e+00;
	v0 =	vadd.f32 v4, v0;
	v2 =	vld [tilespmem:s14+$0xFFFFFF40]  }
0xe3: {  	[tilespmem:s31+$0xFFFFF520] =	vst v1;
	v1 =	vld [tilespmem:s19+$0xFFFFFF70]  }
0xe4: {  	v4 =	vld [tilespmem:s9+$0xFFFFFF20];
	v3 =	vadd.f32 v6, v3;
	v0 =	vmax.f32 v0, $0.0e+00  }
0xe5: {  	v6 =	vld [tilespmem:s18+$0xFFFFFF50];
	[tilespmem:s31+$0xFFFFFFE0] =	vst v0  }
0xe6: {  	v0 =	vadd.f32 v7, v5;
	v3 =	vmax.f32 v3, $0.0e+00;
	v5 =	vld [tilespmem:s9+$0xFFFFF5F0]  }
0xe7: {  	[tilespmem:s31+$0xFFFFF5A0] =	vst v3;
	v3 =	vld [tilespmem:s18+$0xA0]  }
0xe8: {  	v0 =	vmax.f32 v0, $0.0e+00;
	v7 =	vld [tilespmem:s9+$0xFFFFFFA0];
	v1 =	vadd.f32 v1, v2  }
0xe9: {  	[tilespmem:s31+$0xFFFFFF60] =	vst v0;
	v0 =	vld [tilespmem:s18+$0x50]  }
0xea: {  	v2 =	vadd.f32 v6, v4;
	v4 =	vld [tilespmem:s9+$0xFFFFF570];
	v1 =	vmax.f32 v1, $0.0e+00  }
0xeb: {  	v6 =	vld [tilespmem:s18+$0xFFFFFFA0];
	[tilespmem:s0+$0xFFFFFF40] =	vst v1  }
0xec: {  	v1 =	vmax.f32 v2, $0.0e+00;
	v2 =	vadd.f32 v3, v5;
	v3 =	vld [tilespmem:s14+$0xFFFFFF80]  }
0xed: {  	[tilespmem:s31+$0xFFFFFF20] =	vst v1;
	v1 =	vld [tilespmem:s19+$0xFFFFFFF0]  }
0xee: {  	v5 =	vld [tilespmem:s9+$0xFFFFF530];
	v0 =	vadd.f32 v0, v7;
	v2 =	vmax.f32 v2, $0.0e+00  }
0xef: {  	v7 =	vld [tilespmem:s18+$0xFFFFFF20];
	[tilespmem:s31+$0xFFFFF5F0] =	vst v2  }
0xf0: {  	v2 =	vadd.f32 v6, v4;
	v0 =	vmax.f32 v0, $0.0e+00;
	v4 =	vld [tilespmem:s9+$0xFFFFFFF0]  }
0xf1: {  	[tilespmem:s31+$0xFFFFFFA0] =	vst v0;
	v0 =	vld [tilespmem:s18+$0xE0]  }
0xf2: {  	v2 =	vmax.f32 v2, $0.0e+00;
	v6 =	vld [tilespmem:s9+$0xFFFFF5B0];
	v1 =	vadd.f32 v1, v3  }
0xf3: {  	[tilespmem:s31+$0xFFFFF570] =	vst v2;
	v3 =	vld [tilespmem:s18+$0x20]  }
0xf4: {  	v2 =	vadd.f32 v7, v5;
	v5 =	vld [tilespmem:s9+$0xFFFFFF70];
	v1 =	vmax.f32 v1, $0.0e+00  }
0xf5: {  	v7 =	vld [tilespmem:s18+$0xFFFFFFE0];
	[tilespmem:s0+$0xFFFFFF80] =	vst v1  }
0xf6: {  	v1 =	vmax.f32 v2, $0.0e+00;
	v0 =	vadd.f32 v0, v4;
	v8 =	vld [tilespmem:s14+$0xFFFFFFC0];
	s14 =	smov.u32 s9  }
0xf7: {  	[tilespmem:s31+$0xFFFFF530] =	vst v1;
	v9 =	vld [tilespmem:s19+$0x70];
	s19 =	smov.u32 s18  }
0xf8: {  	v2 =	vld [tilespmem:s9+$0xFFFFFF30];
	v1 =	vadd.f32 v3, v6;
	v0 =	vmax.f32 v0, $0.0e+00  }
.Ltmp3:
0xf9: {  	v4 =	vld [tilespmem:s18+$0xFFFFFF60];
	[tilespmem:s31+$0xFFFFFFF0] =	vst v0;
	(pc) =	sbr.rel @p1 .LBB2_5-.Ltmp3, $4  }
0xfa: {  	v0 =	vadd.f32 v7, v5;
	v3 =	vmax.f32 v1, $0.0e+00;
	v1 =	vld [tilespmem:s9+$0xFFFFF600]  }
0xfb: {  	[tilespmem:s31+$0xFFFFF5B0] =	vst v3;
	v3 =	vld [tilespmem:s18+$0xB0]  }
0xfc: {  	v6 =	vmax.f32 v0, $0.0e+00;
	v5 =	vld [tilespmem:s9+$0xFFFFFFB0];
	v0 =	vadd.f32 v9, v8  }
0xfd: {  	s9 =	sadd.s32 $0x100, s9;
	[tilespmem:s31+$0xFFFFFF70] =	vst v6;
	v6 =	vld [tilespmem:s18+$0x60]  }
0xfe: {  	_ =	sdelay $0x1  }
0xff: {  	v2 =	vadd.f32 v4, v2;
	_ =	sdelay $0x1  }
0x100: {  	v50 =	vld [tilespmem:s14+$0xFFFFF580];
	v2 =	vmax.f32 v2, $0.0e+00;
	v47 =	vadd.f32 v6, v5  }
0x101: {  	v51 =	vld [tilespmem:s19+$0xFFFFFFB0];
	[tilespmem:s31+$0xFFFFFF30] =	vst v2  }
0x102: {  	v48 =	vld [tilespmem:s14+$0xFFFFF540];
	v2 =	vmax.f32 v47, $0.0e+00  }
0x103: {  	v49 =	vld [tilespmem:s19+$0xFFFFFF30];
	[tilespmem:s31+$0xFFFFFFB0] =	vst v2  }
0x104: {  	v1 =	vadd.f32 v3, v1;
	v52 =	vld [tilespmem:s14+$0xFFFFF5C0]  }
0x105: {  	v7 =	vld [tilespmem:s19+$0x30]  }
0x106: {  	v1 =	vmax.f32 v1, $0.0e+00;
	v2 =	vadd.f32 v51, v50  }
0x107: {  	[tilespmem:s31+$0xFFFFF600] =	vst v1  }
0x108: {  	v1 =	vld [tilespmem:s14+$0x0];
	v4 =	vadd.f32 v49, v48;
	v2 =	vmax.f32 v2, $0.0e+00  }
0x109: {  	v53 =	vld [tilespmem:s19+$0xF0];
	[tilespmem:s31+$0xFFFFF580] =	vst v2  }
0x10a: {  	v4 =	vmax.f32 v4, $0.0e+00;
	v55 =	vld [tilespmem:s14+$0xFFFFFF80];
	v3 =	vadd.f32 v7, v52  }
0x10b: {  	v56 =	vld [tilespmem:s19+$0xFFFFFFF0];
	[tilespmem:s31+$0xFFFFF540] =	vst v4  }
0x10c: {  	v4 =	vld [tilespmem:s14+$0xFFFFFF40];
	v3 =	vmax.f32 v3, $0.0e+00  }
0x10d: {  	v54 =	vld [tilespmem:s19+$0xFFFFFF70];
	[tilespmem:s31+$0xFFFFF5C0] =	vst v3  }
0x10e: {  	v57 =	vld [tilespmem:s14+$0xFFFFFFC0]  }
0x10f: {  	v8 =	vld [tilespmem:s19+$0x70];
	_ =	sdelay $0x1  }
0x110: {  	v1 =	vadd.f32 v53, v1  }
0x111: {  	v0 =	vmax.f32 v0, $0.0e+00;
	v59 =	vadd.f32 v56, v55  }
0x112: {  	p1 =	seq.s32 s30, $0x3E;
	[tilespmem:s0+$0xFFFFFFC0] =	vst v0;
	v58 =	vmax.f32 v1, $0.0e+00;
	v2 =	vadd.f32 v54, v4  }
.Ltmp4:
0x113: {  	[tilespmem:s31+$0x0] =	vst v58;
	v62 =	vmax.f32 v59, $0.0e+00;
	v61 =	vadd.f32 v8, v57;
	(pc) =	sbr.rel @p1 .LBB2_12-.Ltmp4, $4  }
0x114: {  	s19 =	smul.u32 $0x280, s30;
	[tilespmem:s31+$0xFFFFFF80] =	vst v62;
	v60 =	vmax.f32 v2, $0.0e+00  }
0x115: {  	[tilespmem:s31+$0xFFFFFF40] =	vst v60;
	v63 =	vmax.f32 v61, $0.0e+00  }
0x116: {  	s0 =	sshra.s32 s19, $0x2;
	[tilespmem:s31+$0xFFFFFFC0] =	vst v63  }
0x117: {  	[spmem:s1] =	stream.indirect.scatter.add.f32 [tilespmem:s22], [sflag:$0x5], $0x40, s0, s16, $0xb8;
	[tilespmem:$0x1FFB0] =	vst v63  }
0x118: {  	s31 =	smul.u32 $0xA0, s30;
	_ =	sdelay $0x1  }
0x119: {  	s0 =	sadd.s32 $0xA0, s31  }
0x11a: {  	s7 =	sadd.s32 s8, s0  }
0x11b: {  	s7 =	sshll.u32 s7, $0x3  }
0x11c: {  	s7 =	sand.u32 $0x1FFFFF80, s7  }
0x11d: {  	s7 =	sadd.s32 s5, s7  }
0x11e: {  	[tilespmem:s15], [sflag:$0x3] =	stream.linear.gather [hbm4b:s7+s3], $0x1400, $0x38;
	[tilespmem:$0x1FFB0] =	vst v63  }
0x11f: {  	_ = 	snop  }
0x120: {  	[tilespmem:s17], [sflag:$0x1] =	stream.indirect.gather [hbm4b:s4+s16], $0x40, s0, s16, $0xb8;
	[tilespmem:$0x1FFB0] =	vst v63  }
0x121: {  	s0 =	sor.u32 $0x1, s6  }
0x122: {  	p1 =	sgt.u32 s0, $0x7C  }
.Ltmp5:
0x123: {  	_ = 	snop;
	(pc) =	sbr.rel @p1 .LBB2_11-.Ltmp5, $1  }
0x124: {  	_ =	sdelay $0x3  }
0x125: {  	_ =	swait.ge [sflag:s25], $0x1400  }
0x126: {  	[sflag:s25] =	ssyncset.done $0x0  }
0x127: {  	[sflag:s25] =	ssyncadd.s32 $0xFFFFEC00  }
0x128: {  	_ =	swait.ge [sflag:s26], $0x1400  }
0x129: {  	[sflag:s26] =	ssyncset.done $0x0  }
0x12a: {  	s6 =	simm.s32 @!p0 $0x6;
	[sflag:s26] =	ssyncadd.s32 $0xFFFFEC00  }
0x12b: {  	_ =	swait.ge @!p0 [sflag:s6], $0x1400  }
0x12c: {  	[sflag:s6] =	ssyncset.done @!p0 $0x0  }
0x12d: {  	s9 =	simm.s32 $0x4600;
	[sflag:s6] =	ssyncadd.s32 @!p0 $0xFFFFEC00  }
0x12e: {  	s7 =	simm.s32 $0x6410;
	v0 =	vld [tilespmem:s9+$0xFFFFF5D0]  }
0x12f: {  	v1 =	vld [tilespmem:s7+$0x80];
	_ =	sdelay $0x4  }
0x130: {  	v2 =	vld [tilespmem:s9+$0xFFFFF550];
	v0 =	vadd.f32 v1, v0  }
0x131: {  	v1 =	vld [tilespmem:s7+$0xFFFFFF80]  }
0x132: {  	s14 =	simm.s32 $0x9600;
	v3 =	vld [tilespmem:s7+$0xFFFFFF00];
	v0 =	vmax.f32 v0, $0.0e+00  }
0x133: {  	v4 =	vld [tilespmem:s9+$0xFFFFF510];
	[tilespmem:s14+$0xFFFFF5D0] =	vst v0  }
0x134: {  	v0 =	vld [tilespmem:s9+$0xFFFFFFD0]  }
0x135: {  	v5 =	vld [tilespmem:s7+$0xC0]  }
0x136: {  	v6 =	vld [tilespmem:s9+$0xFFFFF590];
	v1 =	vadd.f32 v1, v2  }
0x137: {  	v2 =	vld [tilespmem:s7+$0x0]  }
0x138: {  	v3 =	vadd.f32 v3, v4;
	v1 =	vmax.f32 v1, $0.0e+00  }
0x139: {  	[tilespmem:s14+$0xFFFFF550] =	vst v1  }
0x13a: {  	v3 =	vmax.f32 v3, $0.0e+00;
	v1 =	vld [tilespmem:s9+$0xFFFFFF50];
	v0 =	vadd.f32 v5, v0  }
0x13b: {  	[tilespmem:s14+$0xFFFFF510] =	vst v3;
	v4 =	vld [tilespmem:s7+$0xFFFFFFC0]  }
0x13c: {  	v3 =	vld [tilespmem:s9+$0xFFFFFF10];
	v2 =	vadd.f32 v2, v6;
	v0 =	vmax.f32 v0, $0.0e+00  }
0x13d: {  	v5 =	vld [tilespmem:s7+$0xFFFFFF40];
	[tilespmem:s14+$0xFFFFFFD0] =	vst v0  }
0x13e: {  	v0 =	vmax.f32 v2, $0.0e+00;
	v2 =	vld [tilespmem:s9+$0xFFFFF5E0]  }
0x13f: {  	[tilespmem:s14+$0xFFFFF590] =	vst v0;
	v0 =	vld [tilespmem:s7+$0x90]  }
0x140: {  	v6 =	vld [tilespmem:s9+$0xFFFFFF90];
	v1 =	vadd.f32 v4, v1  }
0x141: {  	v4 =	vld [tilespmem:s7+$0x40]  }
0x142: {  	v1 =	vmax.f32 v1, $0.0e+00  }
0x143: {  	v3 =	vadd.f32 v5, v3;
	[tilespmem:s14+$0xFFFFFF50] =	vst v1  }
0x144: {  	v1 =	vld [tilespmem:s9+$0xFFFFF560];
	v0 =	vadd.f32 v0, v2  }
0x145: {  	v3 =	vmax.f32 v3, $0.0e+00;
	v2 =	vld [tilespmem:s7+$0xFFFFFF90]  }
0x146: {  	[tilespmem:s14+$0xFFFFFF10] =	vst v3;
	v3 =	vadd.f32 v4, v6;
	v0 =	vmax.f32 v0, $0.0e+00  }
0x147: {  	[tilespmem:s14+$0xFFFFF5E0] =	vst v0  }
0x148: {  	v0 =	vmax.f32 v3, $0.0e+00;
	v3 =	vld [tilespmem:s9+$0xFFFFFFE0]  }
0x149: {  	[tilespmem:s14+$0xFFFFFF90] =	vst v0;
	v0 =	vld [tilespmem:s7+$0xD0]  }
0x14a: {  	v1 =	vadd.f32 v2, v1;
	v2 =	vld [tilespmem:s9+$0xFFFFF5A0]  }
0x14b: {  	v6 =	vld [tilespmem:s7+$0x10]  }
0x14c: {  	v5 =	vld [tilespmem:s7+$0xFFFFFF10];
	v1 =	vmax.f32 v1, $0.0e+00  }
0x14d: {  	v4 =	vld [tilespmem:s9+$0xFFFFF520];
	[tilespmem:s14+$0xFFFFF560] =	vst v1  }
0x14e: {  	v1 =	vld [tilespmem:s9+$0xFFFFFF60];
	v0 =	vadd.f32 v0, v3  }
0x14f: {  	v3 =	vld [tilespmem:s7+$0xFFFFFFD0]  }
0x150: {  	v2 =	vadd.f32 v6, v2;
	v0 =	vmax.f32 v0, $0.0e+00  }
0x151: {  	[tilespmem:s14+$0xFFFFFFE0] =	vst v0  }
0x152: {  	v4 =	vadd.f32 v5, v4;
	v0 =	vmax.f32 v2, $0.0e+00;
	v2 =	vld [tilespmem:s9+$0xFFFFF5F0]  }
0x153: {  	[tilespmem:s14+$0xFFFFF5A0] =	vst v0;
	v0 =	vld [tilespmem:s7+$0xA0]  }
0x154: {  	v4 =	vmax.f32 v4, $0.0e+00;
	v1 =	vadd.f32 v3, v1;
	v3 =	vld [tilespmem:s9+$0xFFFFFFA0]  }
0x155: {  	[tilespmem:s14+$0xFFFFF520] =	vst v4;
	v6 =	vld [tilespmem:s7+$0x50]  }
0x156: {  	v4 =	vld [tilespmem:s9+$0xFFFFFF20];
	v1 =	vmax.f32 v1, $0.0e+00  }
0x157: {  	v5 =	vld [tilespmem:s7+$0xFFFFFF50];
	[tilespmem:s14+$0xFFFFFF60] =	vst v1  }
0x158: {  	v1 =	vld [tilespmem:s9+$0xFFFFF570];
	v0 =	vadd.f32 v0, v2  }
0x159: {  	v2 =	vld [tilespmem:s7+$0xFFFFFFA0]  }
0x15a: {  	s6 =	simm.s32 $0x6610;
	v3 =	vadd.f32 v6, v3;
	v0 =	vmax.f32 v0, $0.0e+00  }
0x15b: {  	v10 =	vld [tilespmem:s6+$0xFFFFFF00];
	[tilespmem:s14+$0xFFFFF5F0] =	vst v0  }
0x15c: {  	v0 =	vmax.f32 v3, $0.0e+00;
	v3 =	vld [tilespmem:s9+$0xFFFFFFF0]  }
0x15d: {  	v4 =	vadd.f32 v5, v4;
	[tilespmem:s14+$0xFFFFFFA0] =	vst v0;
	v0 =	vld [tilespmem:s7+$0xE0]  }
0x15e: {  	v1 =	vadd.f32 v2, v1;
	v2 =	vld [tilespmem:s9+$0xFFFFF5B0]  }
0x15f: {  	s18 =	simm.s32 $0x4700;
	v4 =	vmax.f32 v4, $0.0e+00;
	v6 =	vld [tilespmem:s7+$0x20]  }
0x160: {  	v53 =	vld [tilespmem:s18+$0xFFFFF510];
	[tilespmem:s14+$0xFFFFFF20] =	vst v4  }
0x161: {  	v4 =	vld [tilespmem:s9+$0xFFFFF530]  }
0x162: {  	v5 =	vld [tilespmem:s7+$0xFFFFFF20];
	v0 =	vadd.f32 v0, v3  }
0x163: {  	v8 =	vld [tilespmem:s18+$0xFFFFF5D0]  }
0x164: {  	v9 =	vld [tilespmem:s6+$0x80];
	v2 =	vadd.f32 v6, v2;
	v0 =	vmax.f32 v0, $0.0e+00  }
0x165: {  	v11 =	vld [tilespmem:s6+$0xFFFFFF80];
	v10 =	vadd.f32 v10, v53;
	[tilespmem:s14+$0xFFFFFFF0] =	vst v0  }
0x166: {  	v0 =	vmax.f32 v2, $0.0e+00;
	v2 =	vld [tilespmem:s9+$0xFFFFF600]  }
0x167: {  	s19 =	simm.s32 $0x9700;
	v10 =	vmax.f32 v10, $0.0e+00;
	v4 =	vadd.f32 v5, v4;
	[tilespmem:s14+$0xFFFFF5B0] =	vst v0;
	v0 =	vld [tilespmem:s7+$0xB0]  }
0x168: {  	v12 =	vld [tilespmem:s18+$0xFFFFF590];
	[tilespmem:s19+$0xFFFFF510] =	vst v10;
	v1 =	vmax.f32 v1, $0.0e+00  }
0x169: {  	v10 =	vld [tilespmem:s18+$0xFFFFFF10];
	[tilespmem:s14+$0xFFFFF570] =	vst v1;
	v4 =	vmax.f32 v4, $0.0e+00  }
0x16a: {  	v1 =	vld [tilespmem:s9+$0xFFFFFF70];
	[tilespmem:s14+$0xFFFFF530] =	vst v4  }
0x16b: {  	v4 =	vld [tilespmem:s9+$0xFFFFFF30]  }
0x16c: {  	v5 =	vld [tilespmem:s7+$0xFFFFFF60];
	v0 =	vadd.f32 v0, v2  }
0x16d: {  	v2 =	vld [tilespmem:s18+$0xFFFFF550]  }
0x16e: {  	v3 =	vld [tilespmem:s7+$0xFFFFFFE0];
	v0 =	vmax.f32 v0, $0.0e+00  }
0x16f: {  	v6 =	vld [tilespmem:s9+$0xFFFFFFB0];
	[tilespmem:s14+$0xFFFFF600] =	vst v0;
	v0 =	vadd.f32 v9, v8  }
0x170: {  	v7 =	vld [tilespmem:s7+$0x60]  }
0x171: {  	v4 =	vadd.f32 v5, v4;
	v5 =	vld [tilespmem:s6+$0x0];
	v0 =	vmax.f32 v0, $0.0e+00  }
0x172: {  	v55 =	vld [tilespmem:s6+$0xFFFFFF40];
	v2 =	vadd.f32 v11, v2;
	[tilespmem:s19+$0xFFFFF5D0] =	vst v0  }
0x173: {  	v0 =	vmax.f32 v4, $0.0e+00;
	v4 =	vld [tilespmem:s18+$0xFFFFFFD0]  }
0x174: {  	v1 =	vadd.f32 v3, v1;
	[tilespmem:s14+$0xFFFFFF30] =	vst v0;
	v0 =	vmax.f32 v2, $0.0e+00;
	v2 =	vld [tilespmem:s6+$0xC0]  }
0x175: {  	v6 =	vadd.f32 v7, v6;
	v8 =	vld [tilespmem:s9+$0x0]  }
0x176: {  	v1 =	vmax.f32 v1, $0.0e+00;
	v5 =	vadd.f32 v5, v12;
	v52 =	vld [tilespmem:s7+$0xF0];
	[tilespmem:s19+$0xFFFFF550] =	vst v0  }
0x177: {  	[tilespmem:s14+$0xFFFFFF70] =	vst v1;
	v6 =	vmax.f32 v6, $0.0e+00;
	v3 =	vld [tilespmem:s18+$0xFFFFFF50]  }
0x178: {  	v1 =	vmax.f32 v5, $0.0e+00;
	[tilespmem:s14+$0xFFFFFFB0] =	vst v6;
	v54 =	vld [tilespmem:s6+$0xFFFFFFC0]  }
0x179: {  	v6 =	vld [tilespmem:s7+$0xFFFFFFB0];
	[tilespmem:s19+$0xFFFFF590] =	vst v1;
	v1 =	vadd.f32 v2, v4  }
0x17a: {  	v58 =	vld [tilespmem:s9+$0xFFFFF5C0]  }
0x17b: {  	v59 =	vld [tilespmem:s7+$0x30];
	v1 =	vmax.f32 v1, $0.0e+00  }
0x17c: {  	v0 =	vld [tilespmem:s9+$0xFFFFF540];
	[tilespmem:s19+$0xFFFFFFD0] =	vst v1  }
0x17d: {  	v3 =	vadd.f32 v54, v3;
	v1 =	vld [tilespmem:s18+$0xFFFFF5E0]  }
0x17e: {  	v56 =	vld [tilespmem:s6+$0x90]  }
0x17f: {  	v4 =	vld [tilespmem:s18+$0xFFFFFF90];
	v3 =	vmax.f32 v3, $0.0e+00  }
0x180: {  	[tilespmem:s19+$0xFFFFFF50] =	vst v3;
	v3 =	vld [tilespmem:s6+$0x40]  }
0x181: {  	v10 =	vadd.f32 v55, v10;
	v7 =	vld [tilespmem:s18+$0xFFFFF560]  }
0x182: {  	v57 =	vld [tilespmem:s6+$0xFFFFFF90]  }
0x183: {  	v10 =	vmax.f32 v10, $0.0e+00;
	v5 =	vld [tilespmem:s7+$0xFFFFFF30];
	v1 =	vadd.f32 v56, v1  }
0x184: {  	[tilespmem:s19+$0xFFFFFF10] =	vst v10;
	v2 =	vld [tilespmem:s9+$0xFFFFF580]  }
0x185: {  	v3 =	vadd.f32 v3, v4;
	v4 =	vld [tilespmem:s18+$0xFFFFF520];
	v1 =	vmax.f32 v1, $0.0e+00  }
0x186: {  	[tilespmem:s19+$0xFFFFF5E0] =	vst v1;
	v1 =	vld [tilespmem:s6+$0xFFFFFF10]  }
0x187: {  	v7 =	vadd.f32 v57, v7;
	v3 =	vmax.f32 v3, $0.0e+00;
	v60 =	vld [tilespmem:s18+$0xFFFFFFE0]  }
0x188: {  	v0 =	vadd.f32 v5, v0;
	[tilespmem:s19+$0xFFFFFF90] =	vst v3;
	v3 =	vld [tilespmem:s6+$0xD0]  }
0x189: {  	v5 =	vmax.f32 v7, $0.0e+00;
	v7 =	vld [tilespmem:s18+$0xFFFFF5A0]  }
0x18a: {  	v0 =	vmax.f32 v0, $0.0e+00;
	[tilespmem:s19+$0xFFFFF560] =	vst v5;
	v5 =	vld [tilespmem:s6+$0x10]  }
0x18b: {  	[tilespmem:s14+$0xFFFFF540] =	vst v0;
	v0 =	vld [tilespmem:s6+$0xFFFFFFD0];
	v1 =	vadd.f32 v1, v4  }
0x18c: {  	v4 =	vld [tilespmem:s18+$0xFFFFFF60]  }
0x18d: {  	v61 =	vld [tilespmem:s9+$0xFFFFFF40];
	v3 =	vadd.f32 v3, v60;
	v1 =	vmax.f32 v1, $0.0e+00  }
0x18e: {  	[tilespmem:s19+$0xFFFFF520] =	vst v1;
	v1 =	vld [tilespmem:s7+$0xFFFFFF70]  }
0x18f: {  	v5 =	vadd.f32 v5, v7;
	v3 =	vmax.f32 v3, $0.0e+00;
	v7 =	vld [tilespmem:s18+$0xFFFFFF20]  }
0x190: {  	[tilespmem:s19+$0xFFFFFFE0] =	vst v3;
	v3 =	vld [tilespmem:s6+$0xFFFFFF50]  }
0x191: {  	v0 =	vadd.f32 v0, v4;
	v4 =	vmax.f32 v5, $0.0e+00;
	v5 =	vld [tilespmem:s18+$0xFFFFF5F0]  }
0x192: {  	[tilespmem:s19+$0xFFFFF5A0] =	vst v4;
	v4 =	vld [tilespmem:s6+$0xA0]  }
0x193: {  	v2 =	vadd.f32 v6, v2;
	v0 =	vmax.f32 v0, $0.0e+00;
	v6 =	vld [tilespmem:s18+$0xFFFFFFA0]  }
0x194: {  	[tilespmem:s19+$0xFFFFFF60] =	vst v0;
	v0 =	vld [tilespmem:s6+$0x50]  }
0x195: {  	v2 =	vmax.f32 v2, $0.0e+00;
	v3 =	vadd.f32 v3, v7;
	v7 =	vld [tilespmem:s18+$0xFFFFF570]  }
0x196: {  	[tilespmem:s14+$0xFFFFF580] =	vst v2;
	v2 =	vld [tilespmem:s6+$0xFFFFFFA0]  }
0x197: {  	v3 =	vmax.f32 v3, $0.0e+00;
	v4 =	vadd.f32 v4, v5;
	v5 =	vld [tilespmem:s9+$0xFFFFFF80]  }
0x198: {  	[tilespmem:s19+$0xFFFFFF20] =	vst v3;
	v3 =	vld [tilespmem:s7+$0xFFFFFFF0]  }
0x199: {  	v0 =	vadd.f32 v0, v6;
	v6 =	vld [tilespmem:s18+$0xFFFFF530];
	v4 =	vmax.f32 v4, $0.0e+00  }
0x19a: {  	[tilespmem:s19+$0xFFFFF5F0] =	vst v4;
	v4 =	vld [tilespmem:s6+$0xFFFFFF20]  }
0x19b: {  	v2 =	vadd.f32 v2, v7;
	v0 =	vmax.f32 v0, $0.0e+00;
	v7 =	vld [tilespmem:s18+$0xFFFFFFF0]  }
0x19c: {  	[tilespmem:s19+$0xFFFFFFA0] =	vst v0;
	v0 =	vld [tilespmem:s6+$0xE0]  }
0x19d: {  	v10 =	vadd.f32 v59, v58;
	v2 =	vmax.f32 v2, $0.0e+00;
	v62 =	vld [tilespmem:s18+$0xFFFFF5B0]  }
0x19e: {  	[tilespmem:s19+$0xFFFFF570] =	vst v2;
	v2 =	vld [tilespmem:s6+$0x20]  }
0x19f: {  	v10 =	vmax.f32 v10, $0.0e+00;
	v63 =	vld [tilespmem:s6+$0xFFFFFFE0];
	v4 =	vadd.f32 v4, v6  }
0x1a0: {  	v8 =	vadd.f32 v52, v8;
	[tilespmem:s14+$0xFFFFF5C0] =	vst v10;
	v6 =	vld [tilespmem:s18+$0xFFFFFF70]  }
0x1a1: {  	v10 =	vld [tilespmem:s7+$0x70];
	v4 =	vmax.f32 v4, $0.0e+00;
	v0 =	vadd.f32 v0, v7  }
0x1a2: {  	v8 =	vmax.f32 v8, $0.0e+00;
	v1 =	vadd.f32 v1, v61;
	v7 =	vld [tilespmem:s9+$0xFFFFFFC0];
	[tilespmem:s19+$0xFFFFF530] =	vst v4  }
0x1a3: {  	[tilespmem:s14+$0x0] =	vst v8;
	v8 =	vadd.f32 v2, v62;
	v2 =	vld [tilespmem:s18+$0xFFFFFF30];
	v0 =	vmax.f32 v0, $0.0e+00  }
0x1a4: {  	v1 =	vmax.f32 v1, $0.0e+00;
	v3 =	vadd.f32 v3, v5;
	v4 =	vld [tilespmem:s6+$0xFFFFFF60];
	[tilespmem:s19+$0xFFFFFFF0] =	vst v0  }
0x1a5: {  	[tilespmem:s14+$0xFFFFFF40] =	vst v1;
	v0 =	vadd.f32 v63, v6;
	v5 =	vmax.f32 v8, $0.0e+00;
	v1 =	vld [tilespmem:s18+$0xFFFFF600]  }
0x1a6: {  	v6 =	vmax.f32 v3, $0.0e+00;
	[tilespmem:s19+$0xFFFFF5B0] =	vst v5;
	v3 =	vld [tilespmem:s6+$0xB0]  }
0x1a7: {  	[tilespmem:s14+$0xFFFFFF80] =	vst v6;
	v6 =	vmax.f32 v0, $0.0e+00;
	v5 =	vld [tilespmem:s18+$0xFFFFFFB0];
	v0 =	vadd.f32 v10, v7  }
0x1a8: {  	s10 =	simm.s32 $0x4800;
	s7 =	simm.s32 $0x6610;
	s9 =	simm.s32 $0x4;
	[tilespmem:s19+$0xFFFFFF70] =	vst v6;
	v6 =	vld [tilespmem:s6+$0x60]  }
.LBB2_9:
0x1a9: {  	v7 =	vld [tilespmem:s10+$0xFFFFF5D0];
	v2 =	vadd.f32 v4, v2;
	s6 =	sadd.s32 $0x200, s6;
	v0 =	vmax.f32 v0, $0.0e+00  }
0x1aa: {  	v4 =	vld [tilespmem:s6+$0x80];
	[tilespmem:s14+$0xFFFFFFC0] =	vst v0;
	s14 =	smov.u32 s19  }
0x1ab: {  	v0 =	vld [tilespmem:s6+$0xFFFFFF00];
	v2 =	vmax.f32 v2, $0.0e+00;
	v1 =	vadd.f32 v3, v1  }
0x1ac: {  	v3 =	vld [tilespmem:s10+$0xFFFFF550];
	[tilespmem:s19+$0xFFFFFF30] =	vst v2  }
0x1ad: {  	v2 =	vld [tilespmem:s6+$0xFFFFFF80];
	v5 =	vadd.f32 v6, v5;
	v1 =	vmax.f32 v1, $0.0e+00  }
0x1ae: {  	v6 =	vld [tilespmem:s10+$0xFFFFF590];
	[tilespmem:s19+$0xFFFFF600] =	vst v1  }
0x1af: {  	v1 =	vadd.f32 v4, v7;
	v4 =	vmax.f32 v5, $0.0e+00;
	v5 =	vld [tilespmem:s18+$0x0]  }
0x1b0: {  	[tilespmem:s19+$0xFFFFFFB0] =	vst v4;
	v4 =	vld [tilespmem:s7+$0xF0]  }
0x1b1: {  	s9 =	sadd.s32 $0x4, s9;
	s19 =	sadd.s32 $0x100, s19;
	v7 =	vld [tilespmem:s6+$0x0];
	v1 =	vmax.f32 v1, $0.0e+00  }
0x1b2: {  	p0 =	slt.u32 s9, $0x24;
	v8 =	vld [tilespmem:s10+$0xFFFFF510];
	v2 =	vadd.f32 v2, v3;
	[tilespmem:s19+$0xFFFFF5D0] =	vst v1  }
0x1b3: {  	v1 =	vld [tilespmem:s10+$0xFFFFFFD0]  }
0x1b4: {  	v2 =	vmax.f32 v2, $0.0e+00;
	v3 =	vld [tilespmem:s6+$0xC0]  }
0x1b5: {  	[tilespmem:s19+$0xFFFFF550] =	vst v2;
	v2 =	vld [tilespmem:s18+$0xFFFFF540];
	v4 =	vadd.f32 v4, v5  }
0x1b6: {  	v5 =	vld [tilespmem:s10+$0xFFFFFF50];
	v6 =	vadd.f32 v7, v6  }
0x1b7: {  	v0 =	vadd.f32 v0, v8;
	v7 =	vld [tilespmem:s6+$0xFFFFFFC0];
	v4 =	vmax.f32 v4, $0.0e+00  }
0x1b8: {  	v6 =	vmax.f32 v6, $0.0e+00;
	v8 =	vld [tilespmem:s7+$0xFFFFFF30];
	[tilespmem:s14+$0x0] =	vst v4  }
0x1b9: {  	v0 =	vmax.f32 v0, $0.0e+00;
	[tilespmem:s19+$0xFFFFF590] =	vst v6;
	v1 =	vadd.f32 v3, v1;
	v3 =	vld [tilespmem:s18+$0xFFFFF580]  }
0x1ba: {  	[tilespmem:s19+$0xFFFFF510] =	vst v0;
	v0 =	vld [tilespmem:s10+$0xFFFFFF90]  }
0x1bb: {  	v4 =	vld [tilespmem:s10+$0xFFFFFF10];
	v1 =	vmax.f32 v1, $0.0e+00  }
0x1bc: {  	v6 =	vld [tilespmem:s6+$0xFFFFFF40];
	v5 =	vadd.f32 v7, v5;
	[tilespmem:s19+$0xFFFFFFD0] =	vst v1  }
0x1bd: {  	v1 =	vld [tilespmem:s10+$0xFFFFF5E0];
	v2 =	vadd.f32 v8, v2  }
0x1be: {  	v5 =	vmax.f32 v5, $0.0e+00;
	v7 =	vld [tilespmem:s6+$0x90]  }
0x1bf: {  	[tilespmem:s19+$0xFFFFFF50] =	vst v5;
	v5 =	vld [tilespmem:s6+$0x40];
	v2 =	vmax.f32 v2, $0.0e+00  }
0x1c0: {  	v8 =	vld [tilespmem:s10+$0xFFFFF560];
	[tilespmem:s14+$0xFFFFF540] =	vst v2  }
0x1c1: {  	v2 =	vadd.f32 v6, v4;
	v4 =	vld [tilespmem:s6+$0xFFFFFF90]  }
0x1c2: {  	v6 =	vld [tilespmem:s7+$0xFFFFFFB0]  }
0x1c3: {  	v2 =	vmax.f32 v2, $0.0e+00;
	v1 =	vadd.f32 v7, v1;
	v7 =	vld [tilespmem:s18+$0xFFFFF5C0]  }
0x1c4: {  	[tilespmem:s19+$0xFFFFFF10] =	vst v2;
	v0 =	vadd.f32 v5, v0;
	v2 =	vld [tilespmem:s7+$0x30]  }
0x1c5: {  	v5 =	vld [tilespmem:s10+$0xFFFFF520];
	v1 =	vmax.f32 v1, $0.0e+00  }
0x1c6: {  	v9 =	vld [tilespmem:s6+$0xFFFFFF10];
	v4 =	vadd.f32 v4, v8;
	v0 =	vmax.f32 v0, $0.0e+00;
	[tilespmem:s19+$0xFFFFF5E0] =	vst v1  }
0x1c7: {  	[tilespmem:s19+$0xFFFFFF90] =	vst v0;
	v0 =	vld [tilespmem:s10+$0xFFFFFFE0];
	v1 =	vadd.f32 v6, v3  }
0x1c8: {  	v3 =	vmax.f32 v4, $0.0e+00;
	v4 =	vld [tilespmem:s6+$0xD0]  }
0x1c9: {  	[tilespmem:s19+$0xFFFFF560] =	vst v3;
	v3 =	vld [tilespmem:s10+$0xFFFFF5A0];
	v1 =	vmax.f32 v1, $0.0e+00;
	v2 =	vadd.f32 v2, v7  }
0x1ca: {  	v6 =	vld [tilespmem:s6+$0x10];
	[tilespmem:s14+$0xFFFFF580] =	vst v1  }
0x1cb: {  	v1 =	vadd.f32 v9, v5;
	v5 =	vld [tilespmem:s10+$0xFFFFFF60];
	v2 =	vmax.f32 v2, $0.0e+00  }
0x1cc: {  	v7 =	vld [tilespmem:s6+$0xFFFFFFD0];
	[tilespmem:s14+$0xFFFFF5C0] =	vst v2  }
0x1cd: {  	v1 =	vmax.f32 v1, $0.0e+00;
	v0 =	vadd.f32 v4, v0;
	v2 =	vld [tilespmem:s18+$0xFFFFFF40]  }
0x1ce: {  	[tilespmem:s19+$0xFFFFF520] =	vst v1;
	v1 =	vld [tilespmem:s7+$0xFFFFFF70]  }
0x1cf: {  	v4 =	vld [tilespmem:s10+$0xFFFFFF20];
	v3 =	vadd.f32 v6, v3;
	v0 =	vmax.f32 v0, $0.0e+00  }
0x1d0: {  	v6 =	vld [tilespmem:s6+$0xFFFFFF50];
	[tilespmem:s19+$0xFFFFFFE0] =	vst v0  }
0x1d1: {  	v0 =	vadd.f32 v7, v5;
	v3 =	vmax.f32 v3, $0.0e+00;
	v5 =	vld [tilespmem:s10+$0xFFFFF5F0]  }
0x1d2: {  	[tilespmem:s19+$0xFFFFF5A0] =	vst v3;
	v3 =	vld [tilespmem:s6+$0xA0]  }
0x1d3: {  	v0 =	vmax.f32 v0, $0.0e+00;
	v7 =	vld [tilespmem:s10+$0xFFFFFFA0];
	v1 =	vadd.f32 v1, v2  }
0x1d4: {  	[tilespmem:s19+$0xFFFFFF60] =	vst v0;
	v0 =	vld [tilespmem:s6+$0x50]  }
0x1d5: {  	v2 =	vadd.f32 v6, v4;
	v4 =	vld [tilespmem:s10+$0xFFFFF570];
	v1 =	vmax.f32 v1, $0.0e+00  }
0x1d6: {  	v6 =	vld [tilespmem:s6+$0xFFFFFFA0];
	[tilespmem:s14+$0xFFFFFF40] =	vst v1  }
0x1d7: {  	v1 =	vmax.f32 v2, $0.0e+00;
	v2 =	vadd.f32 v3, v5;
	v3 =	vld [tilespmem:s18+$0xFFFFFF80]  }
0x1d8: {  	[tilespmem:s19+$0xFFFFFF20] =	vst v1;
	v1 =	vld [tilespmem:s7+$0xFFFFFFF0]  }
0x1d9: {  	v5 =	vld [tilespmem:s10+$0xFFFFF530];
	v0 =	vadd.f32 v0, v7;
	v2 =	vmax.f32 v2, $0.0e+00  }
0x1da: {  	v7 =	vld [tilespmem:s6+$0xFFFFFF20];
	[tilespmem:s19+$0xFFFFF5F0] =	vst v2  }
0x1db: {  	v2 =	vadd.f32 v6, v4;
	v0 =	vmax.f32 v0, $0.0e+00;
	v4 =	vld [tilespmem:s10+$0xFFFFFFF0]  }
0x1dc: {  	[tilespmem:s19+$0xFFFFFFA0] =	vst v0;
	v0 =	vld [tilespmem:s6+$0xE0]  }
0x1dd: {  	v2 =	vmax.f32 v2, $0.0e+00;
	v6 =	vld [tilespmem:s10+$0xFFFFF5B0];
	v1 =	vadd.f32 v1, v3  }
0x1de: {  	[tilespmem:s19+$0xFFFFF570] =	vst v2;
	v3 =	vld [tilespmem:s6+$0x20]  }
0x1df: {  	v2 =	vadd.f32 v7, v5;
	v5 =	vld [tilespmem:s10+$0xFFFFFF70];
	v1 =	vmax.f32 v1, $0.0e+00  }
0x1e0: {  	v7 =	vld [tilespmem:s6+$0xFFFFFFE0];
	[tilespmem:s14+$0xFFFFFF80] =	vst v1  }
0x1e1: {  	v1 =	vmax.f32 v2, $0.0e+00;
	v0 =	vadd.f32 v0, v4;
	v8 =	vld [tilespmem:s18+$0xFFFFFFC0];
	s18 =	smov.u32 s10  }
0x1e2: {  	[tilespmem:s19+$0xFFFFF530] =	vst v1;
	v9 =	vld [tilespmem:s7+$0x70];
	s7 =	smov.u32 s6  }
0x1e3: {  	v2 =	vld [tilespmem:s10+$0xFFFFFF30];
	v1 =	vadd.f32 v3, v6;
	v0 =	vmax.f32 v0, $0.0e+00  }
.Ltmp6:
0x1e4: {  	v4 =	vld [tilespmem:s6+$0xFFFFFF60];
	[tilespmem:s19+$0xFFFFFFF0] =	vst v0;
	(pc) =	sbr.rel @p0 .LBB2_9-.Ltmp6, $4  }
0x1e5: {  	v0 =	vadd.f32 v7, v5;
	v3 =	vmax.f32 v1, $0.0e+00;
	v1 =	vld [tilespmem:s10+$0xFFFFF600]  }
0x1e6: {  	[tilespmem:s19+$0xFFFFF5B0] =	vst v3;
	v3 =	vld [tilespmem:s6+$0xB0]  }
0x1e7: {  	v6 =	vmax.f32 v0, $0.0e+00;
	v5 =	vld [tilespmem:s10+$0xFFFFFFB0];
	v0 =	vadd.f32 v9, v8  }
0x1e8: {  	s10 =	sadd.s32 $0x100, s10;
	[tilespmem:s19+$0xFFFFFF70] =	vst v6;
	v6 =	vld [tilespmem:s6+$0x60]  }
0x1e9: {  	_ =	sdelay $0x1  }
0x1ea: {  	v2 =	vadd.f32 v4, v2;
	_ =	sdelay $0x1  }
0x1eb: {  	v50 =	vld [tilespmem:s18+$0xFFFFF580];
	v2 =	vmax.f32 v2, $0.0e+00;
	v47 =	vadd.f32 v6, v5  }
0x1ec: {  	v51 =	vld [tilespmem:s7+$0xFFFFFFB0];
	[tilespmem:s19+$0xFFFFFF30] =	vst v2  }
0x1ed: {  	v48 =	vld [tilespmem:s18+$0xFFFFF540];
	v2 =	vmax.f32 v47, $0.0e+00  }
0x1ee: {  	v49 =	vld [tilespmem:s7+$0xFFFFFF30];
	[tilespmem:s19+$0xFFFFFFB0] =	vst v2  }
0x1ef: {  	v1 =	vadd.f32 v3, v1;
	v52 =	vld [tilespmem:s18+$0xFFFFF5C0]  }
0x1f0: {  	v7 =	vld [tilespmem:s7+$0x30]  }
0x1f1: {  	v1 =	vmax.f32 v1, $0.0e+00;
	v2 =	vadd.f32 v51, v50  }
0x1f2: {  	[tilespmem:s19+$0xFFFFF600] =	vst v1  }
0x1f3: {  	v1 =	vld [tilespmem:s18+$0x0];
	v4 =	vadd.f32 v49, v48;
	v2 =	vmax.f32 v2, $0.0e+00  }
0x1f4: {  	v53 =	vld [tilespmem:s7+$0xF0];
	[tilespmem:s19+$0xFFFFF580] =	vst v2  }
0x1f5: {  	v4 =	vmax.f32 v4, $0.0e+00;
	v55 =	vld [tilespmem:s18+$0xFFFFFF80];
	v3 =	vadd.f32 v7, v52  }
0x1f6: {  	v56 =	vld [tilespmem:s7+$0xFFFFFFF0];
	[tilespmem:s19+$0xFFFFF540] =	vst v4  }
0x1f7: {  	v4 =	vld [tilespmem:s18+$0xFFFFFF40];
	v3 =	vmax.f32 v3, $0.0e+00  }
0x1f8: {  	v54 =	vld [tilespmem:s7+$0xFFFFFF70];
	[tilespmem:s19+$0xFFFFF5C0] =	vst v3  }
0x1f9: {  	v57 =	vld [tilespmem:s18+$0xFFFFFFC0]  }
0x1fa: {  	v8 =	vld [tilespmem:s7+$0x70];
	_ =	sdelay $0x1  }
0x1fb: {  	v1 =	vadd.f32 v53, v1  }
0x1fc: {  	v0 =	vmax.f32 v0, $0.0e+00;
	v59 =	vadd.f32 v56, v55  }
0x1fd: {  	[tilespmem:s14+$0xFFFFFFC0] =	vst v0;
	v58 =	vmax.f32 v1, $0.0e+00;
	v2 =	vadd.f32 v54, v4  }
0x1fe: {  	[tilespmem:s19+$0x0] =	vst v58;
	v62 =	vmax.f32 v59, $0.0e+00;
	v61 =	vadd.f32 v8, v57  }
0x1ff: {  	s0 =	smul.u32 $0x140, s0;
	[tilespmem:s19+$0xFFFFFF80] =	vst v62;
	v60 =	vmax.f32 v2, $0.0e+00  }
0x200: {  	[tilespmem:s19+$0xFFFFFF40] =	vst v60;
	v63 =	vmax.f32 v61, $0.0e+00  }
0x201: {  	p0 =	sgt.u32 s30, $0x3C;
	s0 =	sshra.s32 s0, $0x2;
	[tilespmem:s19+$0xFFFFFFC0] =	vst v63  }
0x202: {  	[spmem:s1] =	stream.indirect.scatter.add.f32 [tilespmem:s28], [sflag:$0x6], $0x40, s0, s16, $0xb8;
	[tilespmem:$0x1FFB0] =	vst v63  }
0x203: {  	s0 =	sadd.s32 @!p0 $0xF0, s31  }
0x204: {  	s6 =	sadd.s32 @!p0 s8, s0  }
0x205: {  	s6 =	sshll.u32 @!p0 s6, $0x3  }
.Ltmp7:
0x206: {  	s6 =	sand.u32 @!p0 $0x1FFFFF80, s6;
	(pc) =	sbr.rel .LBB2_11-.Ltmp7, $4  }
0x207: {  	s9 =	simm.s32 @!p0 $0x6310;
	s7 =	simm.s32 @!p0 $0x0;
	s6 =	sadd.s32 @!p0 s5, s6  }
0x208: {  	[tilespmem:s9], [sflag:$0x4] =	stream.linear.gather @!p0 [hbm4b:s6+s7], $0x1400, $0x38;
	[tilespmem:$0x1FFB0] =	vst v63  }
0x209: {  	s6 =	simm.s32 @!p0 $0x50;
	s7 =	simm.s32 @!p0 $0x3B10  }
0x20a: {  	[tilespmem:s7], [sflag:$0x2] =	stream.indirect.gather @!p0 [hbm4b:s4+s6], $0x40, s0, s6, $0xb8;
	[tilespmem:$0x1FFB0] =	vst v63  }
.LBB2_12:
0x20b: {  	_ =	swait.ge [sflag:s23], $0x1400  }
0x20c: {  	[sflag:s23] =	ssyncset.done $0x0  }
0x20d: {  	s0 =	simm.s32 $0x0;
	[sflag:s23] =	ssyncadd.s32 $0xFFFFEC00  }
0x20e: {  	s0 =	sand.u32 $0xF, s0;
	_ =	swait.ge [sflag:s24], $0x1400  }
0x20f: {  	p0 =	sne.s32 s2, s0;
	[sflag:s24] =	ssyncset.done $0x0  }
0x210: {  	s0 =	simm.s32 @!p0 $0x9F10;
	[sflag:s24] =	ssyncadd.s32 $0xFFFFEC00  }
0x211: {  	s7 =	simm.s32 @!p0 $0x8;
	p0 =	por p0, p0;
	[bflag:$0x0] =	sbarrier.arrive $0xFFFF  }
0x212: {  	[tilespmem:s0], [sflag:$0x8] =	stream.linear.gather @!p0 [spmem:s1], $0x2800, $0x38;
	[tilespmem:$0x1FFB0] =	vst v63  }
0x213: {  	s10 =	simm.s32 $0x1;
	_ =	swait.ge @!p0 [sflag:s7], $0x2800  }
0x214: {  	s31 =	sand.u32 $0xF, s10;
	[sflag:s7] =	ssyncset.done @!p0 $0x0  }
0x215: {  	s9 =	simm.s32 @!p0 $0x7;
	[sflag:s7] =	ssyncadd.s32 @!p0 $0xFFFFD800;
	s7 =	simm.s32 @!p0 $0x0  }
0x216: {  	[hbm4b:s12+s7] =	stream.linear.scatter @!p0 [tilespmem:s0], [sflag:$0x7], $0x2800, $0x38;
	[tilespmem:$0x1FFB0] =	vst v63  }
0x217: {  	s6 =	simm.s32 $0x2;
	p1 =	sne.s32 s2, s31;
	_ =	swait.ge @!p0 [sflag:s9], $0x2800  }
0x218: {  	s7 =	sadd.s32 $0x2800, s1;
	s0 =	sadd.s32 $0x500, s12;
	[sflag:s9] =	ssyncset.done @!p0 $0x0  }
.LBB2_13:
0x219: {  	s10 =	simm.s32 @!p1 $0x9F10;
	s14 =	simm.s32 @!p1 $0x8;
	[sflag:s9] =	ssyncadd.s32 @!p0 $0xFFFFD800  }
0x21a: {  	s18 =	smov.u32 s6;
	p0 =	por p1, p1;
	s6 =	sadd.s32 $0x1, s6  }
0x21b: {  	[tilespmem:s10], [sflag:$0x8] =	stream.linear.gather @!p0 [spmem:s7], $0x2800, $0x38;
	[tilespmem:$0x1FFB0] =	vst v63  }
0x21c: {  	p2 =	sne.s32 s6, $0x7D;
	_ =	swait.ge @!p0 [sflag:s14], $0x2800  }
.Ltmp8:
0x21d: {  	[sflag:s14] =	ssyncset.done @!p0 $0x0;
	(pc) =	sbr.rel @p2 .LBB2_13-.Ltmp8, $4  }
0x21e: {  	s9 =	simm.s32 @!p0 $0x7;
	[sflag:s14] =	ssyncadd.s32 @!p0 $0xFFFFD800;
	s14 =	simm.s32 @!p0 $0x0  }
0x21f: {  	[hbm4b:s0+s14] =	stream.linear.scatter @!p0 [tilespmem:s10], [sflag:$0x7], $0x2800, $0x38;
	[tilespmem:$0x1FFB0] =	vst v63  }
0x220: {  	s7 =	sadd.s32 $0x2800, s7;
	s10 =	sand.u32 $0xF, s18;
	_ =	swait.ge @!p0 [sflag:s9], $0x2800  }
0x221: {  	s0 =	sadd.s32 $0x500, s0;
	p1 =	sne.s32 s2, s10;
	[sflag:s9] =	ssyncset.done @!p0 $0x0  }
0x222: {  	s6 =	simm.s32 @!p1 $0x9F10  }
0x223: {  	s10 =	simm.s32 @!p1 $0x8;
	[sflag:s9] =	ssyncadd.s32 @!p0 $0xFFFFD800;
	p0 =	por p1, p1  }
0x224: {  	[tilespmem:s6], [sflag:$0x8] =	stream.linear.gather @!p0 [spmem:s7], $0x2800, $0x38;
	[tilespmem:$0x1FFB0] =	vst v63  }
0x225: {  	s29 =	sadd.s32 $0x1, s29;
	_ =	swait.ge @!p0 [sflag:s10], $0x2800  }
0x226: {  	s7 =	simm.s32 @!p0 $0x0;
	p1 =	sne.s32 s29, s11;
	[sflag:s10] =	ssyncset.done @!p0 $0x0  }
.Ltmp9:
0x227: {  	s9 =	simm.s32 @!p0 $0x7;
	[sflag:s10] =	ssyncadd.s32 @!p0 $0xFFFFD800;
	(pc) =	sbr.rel @p1 .LBB2_1-.Ltmp9, $4  }
0x228: {  	[hbm4b:s0+s7] =	stream.linear.scatter @!p0 [tilespmem:s6], [sflag:$0x7], $0x2800, $0x38;
	[tilespmem:$0x1FFB0] =	vst v63  }
0x229: {  	_ =	swait.ge @!p0 [sflag:s9], $0x2800  }
0x22a: {  	[sflag:s9] =	ssyncset.done @!p0 $0x0  }
0x22b: {  	[sflag:s9] =	ssyncadd.s32 @!p0 $0xFFFFD800  }
0x22c: {  	_ =	sfence.sel $0x180000  }
0x22d: {  	[bflag:$0x0] =	sbarrier.arrive $0xFFFF  }
0x22e: {  	_ =	strace $0x90000047  }
0x22f: {  	[bflag:$0x2] =	sbarrier.arrive $0xFFFF  }
0x230: {  	p0 =	sne.s32 s2, $0x0;
	s0 =	rddreg [dreg:$0x3]  }
0x231: {  	s0 =	sadd.s32 @!p0 $0x100000, s0  }
0x232: {  	[sflag:s0] =	ssyncadd.tile.s32 @!p0 $0x1;
	_ =	shalt  }
.Lfunc_end2:
_tile_overlayer_lowered:
.L_overlay_start_2:
0x233: {  	(tag) =	ssettag $0x2  }
0x234: {  	s0 =	rddreg [dreg:$0x0];
	s2 =	stileid.u32  }
0x235: {  	s1 =	rddreg [dreg:$0x1];
	p0 =	sne.s32 s2, $0x0  }
0x236: {  	s3 =	rddreg [dreg:$0x2];
	[bflag:$0x3] =	sbarrier.arrive $0xFFFF;
	s2 =	simm.s32 @!p0 $0x1C07  }
0x237: {  	[timem:s3], [sflag:s2] =	dma.local @!p0 [hbm:s0], s1  }
0x238: {  	s0 =	simm.s32 @!p0 $0x7  }
0x239: {  	_ =	swait.ge @!p0 [sflag:s0], s1  }
0x23a: {  	s1 =	ssub.s32 @!p0 $0x0, s1;
	[sflag:s0] =	ssyncset.done @!p0 $0x0  }
0x23b: {  	[sflag:s0] =	ssyncadd.s32 @!p0 s1  }
0x23c: {  	[bflag:$0x3] =	sbarrier.arrive $0xFFFF  }
0x23d: {  	_ =	shalt  }

</sc_bundles>
